<compile_context>
chip_gen: v7x
topology: tpu7x:2x2x1
jax: 0.10.2.dev20260603
libtpu: 0.0.44.dev20260713+nightly
codegen_flags: <defaults>
</compile_context>

<pallas_src>
import functools

import jax
import jax.numpy as jnp
from jax import lax
from jax.experimental import pallas as pl
from jax.experimental.pallas import tpu as pltpu
from jax.experimental.pallas import tpu_sc as plsc

N = 10000
E = 320000
D = 128
DP = 144
SLOPE = 0.2
NC = 2
NS = 16
NW = NC * NS
EPW = E // NW
K = 80
NCH = EPW // K
IB = 2000
CPB = IB // K
NB = EPW // IB
BN = 1000
GRID = N // BN


def _prep_body(x_ref, w_ref, a_ref, h_ref, s_ref, m_ref):
    h = jnp.dot(x_ref[...], w_ref[...], preferred_element_type=jnp.float32)
    h_ref[:, :D] = h
    cols = lax.broadcasted_iota(jnp.int32, (BN, DP - D), 1)
    h_ref[:, D:] = jnp.where(cols == 0, 1.0, 0.0).astype(jnp.float32)
    s1 = jnp.sum(h * a_ref[0:1, :], axis=1, keepdims=True)
    s2 = jnp.sum(h * a_ref[1:2, :], axis=1, keepdims=True)
    s_ref[:, 0:1] = s1
    s_ref[:, 1:2] = s2
    mb = jnp.concatenate([jnp.full((4, 128), jnp.max(s1)),
                          jnp.full((4, 128), jnp.max(s2))], axis=0)
    i = pl.program_id(0)

    @pl.when(i == 0)
    def _():
        m_ref[...] = mb

    @pl.when(i > 0)
    def _():
        m_ref[...] = jnp.maximum(m_ref[...], mb)


_prep = pl.pallas_call(
    _prep_body,
    grid=(GRID,),
    in_specs=[
        pl.BlockSpec((BN, D), lambda i: (i, 0)),
        pl.BlockSpec((D, D), lambda i: (0, 0)),
        pl.BlockSpec((2, D), lambda i: (0, 0)),
    ],
    out_specs=[
        pl.BlockSpec((BN, DP), lambda i: (i, 0)),
        pl.BlockSpec((BN, 2), lambda i: (i, 0)),
        pl.BlockSpec((8, 128), lambda i: (0, 0)),
    ],
    out_shape=[
        jax.ShapeDtypeStruct((N, DP), jnp.float32),
        jax.ShapeDtypeStruct((N, 2), jnp.float32),
        jax.ShapeDtypeStruct((8, 128), jnp.float32),
    ],
)

_mesh = plsc.VectorSubcoreMesh(core_axis_name="c", subcore_axis_name="s",
                               num_cores=NC, num_subcores=NS)
_sc_params = pltpu.CompilerParams(use_tc_tiling_on_sc=False,
                                  needs_layout_passes=False)


@functools.partial(
    pl.kernel,
    out_type=jax.ShapeDtypeStruct((E,), jnp.float32),
    mesh=_mesh,
    scratch_types=[
        pltpu.VMEM((N,), jnp.float32),
        pltpu.VMEM((N,), jnp.float32),
        pltpu.VMEM((16,), jnp.float32),
        pltpu.VMEM((IB,), jnp.int32),
        pltpu.VMEM((IB,), jnp.int32),
        pltpu.VMEM((IB,), jnp.float32),
    ],
    compiler_params=_sc_params,
)
def _coef_kernel(s1_hbm, s2_hbm, src_hbm, dst_hbm, c_hbm, ea_hbm,
                 s1_v, s2_v, c_v, src_v, dst_v, a_v):
    cid = lax.axis_index("c")
    sid = lax.axis_index("s")
    wid = cid * NS + sid
    tbase = wid * EPW

    pltpu.sync_copy(s1_hbm, s1_v)
    pltpu.sync_copy(s2_hbm, s2_v)
    pltpu.sync_copy(c_hbm, c_v)
    cvec = c_v[...]

    def _block(b, carry):
        e0 = tbase + b * IB
        pltpu.sync_copy(src_hbm.at[pl.ds(e0, IB)], src_v)
        pltpu.sync_copy(dst_hbm.at[pl.ds(e0, IB)], dst_v)

        def _grp(u, c2):
            sv = src_v[pl.ds(u * 16, 16)]
            dv = dst_v[pl.ds(u * 16, 16)]
            al = plsc.load_gather(s1_v, [sv]) + plsc.load_gather(s2_v, [dv])
            al = jnp.where(al > 0, al, al * SLOPE)
            a_v[pl.ds(u * 16, 16)] = jnp.exp(al - cvec)
            return c2
        lax.fori_loop(0, IB // 16, _grp, 0)
        pltpu.sync_copy(a_v, ea_hbm.at[pl.ds(e0, IB)])
        return carry

    lax.fori_loop(0, NB, _block, 0)


@functools.partial(
    pl.kernel,
    out_type=jax.ShapeDtypeStruct((NC, N, DP), jnp.float32),
    mesh=_mesh,
    scratch_types=[
        pltpu.VMEM((NCH, K), jnp.int32),
        pltpu.VMEM((CPB, K), jnp.int32),
        pltpu.VMEM((IB + 16,), jnp.float32),
        pltpu.VMEM((K, DP), jnp.float32),
        pltpu.VMEM((K, DP), jnp.float32),
        pltpu.VMEM_SHARED((N, DP), jnp.float32),
        pltpu.SemaphoreType.DMA,
        pltpu.SemaphoreType.DMA,
    ],
    compiler_params=_sc_params,
)
def _edge_kernel(h_hbm, src2_hbm, dst2_hbm, ea_hbm, outp_hbm,
                 dst2_v, src2_v, a_v, rows0_v, rows1_v, out_sh,
                 gsem0, gsem1):
    cid = lax.axis_index("c")
    sid = lax.axis_index("s")
    wid = cid * NS + sid

    def _zb(i, carry):
        r = i // (DP // 16)
        col = (i % (DP // 16)) * 16
        rows0_v[r, pl.ds(col, 16)] = jnp.zeros((16,), jnp.float32)
        return carry
    lax.fori_loop(0, K * (DP // 16), _zb, 0)
    for z in range(pl.cdiv(N // K, NS)):
        zi = sid + z * NS

        @pl.when(zi < N // K)
        def _():
            pltpu.sync_copy(rows0_v, out_sh.at[pl.ds(zi * K, K), :])

    pltpu.sync_copy(dst2_hbm.at[pl.ds(wid * NCH, NCH), :], dst2_v)
    plsc.subcore_barrier()

    pltpu.async_copy(h_hbm.at[dst2_v.at[0]], rows0_v, gsem0)

    def _proc(j, jj, rows_cur, gsem_cur, rows_nxt, gsem_nxt):
        @pl.when(j + 1 < NCH)
        def _():
            pltpu.async_copy(h_hbm.at[dst2_v.at[j + 1]], rows_nxt, gsem_nxt)
        pltpu.make_async_copy(h_hbm.at[dst2_v.at[j]], rows_cur,
                              gsem_cur).wait()

        def _scale(r, c2):
            av = a_v[pl.ds(jj * K + r, 16)][0]
            for q in range(DP // 16):
                rows_cur[r, pl.ds(q * 16, 16)] = \
                    rows_cur[r, pl.ds(q * 16, 16)] * av
            return c2
        lax.fori_loop(0, K, _scale, 0)
        pltpu.sync_copy(rows_cur, out_sh.at[src2_v.at[jj]], add=True)

    def _block(b, carry):
        pltpu.sync_copy(src2_hbm.at[pl.ds(wid * NCH + b * CPB, CPB), :],
                        src2_v)
        pltpu.sync_copy(ea_hbm.at[pl.ds(wid * EPW + b * IB, IB)],
                        a_v.at[pl.ds(0, IB)])

        def _chunk(jj, c2):
            j = b * CPB + jj
            parity = lax.rem(j, 2)

            @pl.when(parity == 0)
            def _():
                _proc(j, jj, rows0_v, gsem0, rows1_v, gsem1)

            @pl.when(parity == 1)
            def _():
                _proc(j, jj, rows1_v, gsem1, rows0_v, gsem0)
            return c2
        lax.fori_loop(0, CPB, _chunk, 0)
        return carry

    lax.fori_loop(0, NB, _block, 0)

    plsc.subcore_barrier()

    @pl.when(sid == 0)
    def _():
        pltpu.sync_copy(out_sh, outp_hbm.at[cid])


def _final_body(p_ref, h_ref, s_ref, c_ref, o_ref):
    al = s_ref[:, 0:1] + s_ref[:, 1:2]
    al = jnp.where(al > 0, al, al * SLOPE)
    asf = jnp.exp(al - c_ref[0, 0])
    h = h_ref[:, :D]
    num = p_ref[0, :, :D] + p_ref[1, :, :D] + asf * h
    den = p_ref[0, :, D:D + 1] + p_ref[1, :, D:D + 1] + asf
    o_ref[...] = num / den


_final = pl.pallas_call(
    _final_body,
    grid=(GRID,),
    in_specs=[
        pl.BlockSpec((NC, BN, DP), lambda i: (0, i, 0)),
        pl.BlockSpec((BN, DP), lambda i: (i, 0)),
        pl.BlockSpec((BN, 2), lambda i: (i, 0)),
        pl.BlockSpec(memory_space=pltpu.SMEM),
    ],
    out_specs=pl.BlockSpec((BN, D), lambda i: (i, 0)),
    out_shape=jax.ShapeDtypeStruct((N, D), jnp.float32),
)


def kernel(input_matrix, adjacency_coo_matrix, weights_matrix,
           attention_bias_vector):
    adj = adjacency_coo_matrix.astype(jnp.int32)
    src = adj[0]
    dst = adj[1]
    a2 = attention_bias_vector.reshape(2, D)
    h_pad, s, m = _prep(input_matrix, weights_matrix, a2)
    c = m[0, 0] + m[4, 0]
    c16 = jnp.full((16,), c, jnp.float32)
    c11 = c.reshape(1, 1)
    ea = _coef_kernel(s[:, 0], s[:, 1], src, dst, c16)
    src2 = src.reshape(NW * NCH, K)
    dst2 = dst.reshape(NW * NCH, K)
    outp = _edge_kernel(h_pad, src2, dst2, ea)
    return _final(outp, h_pad, s, c11)

# --- scband reference (transcript-rebuilt; emitter-appended) ---
"""Pipeline reference for scband-gat-layer-60146722013383 (READ-ONLY COPY).

The authoritative reference and input builder live on the scoring server;
editing this copy changes nothing except your own understanding.
"""

import jax, jax.numpy as jnp
import numpy as np

N_NODES = 10000
N_EDGES = 320000
D_IN = 128
D_OUT = 128
SLOPE = 0.2


def setup_inputs(seed: int = 0) -> dict:
    key = jax.random.key(seed)
    k1, k2, k3, k4 = jax.random.split(key, 4)
    input_matrix = jax.random.normal(k1, (N_NODES, D_IN), dtype=jnp.float32)
    adjacency_coo_matrix = jax.random.randint(k2, (2, N_EDGES), 0, N_NODES, dtype=jnp.int64)
    # xavier_uniform for weights [D_IN, D_OUT]
    limit_w = float(np.sqrt(6.0 / (D_IN + D_OUT)))
    weights_matrix = jax.random.uniform(k3, (D_IN, D_OUT), dtype=jnp.float32, minval=-limit_w, maxval=limit_w)
    # xavier_uniform for attention bias [1, 2*D_OUT]
    limit_a = float(np.sqrt(6.0 / (1 + 2 * D_OUT)))
    attention_bias_vector = jax.random.uniform(k4, (1, 2 * D_OUT), dtype=jnp.float32, minval=-limit_a, maxval=limit_a)
    return {
        'input_matrix': input_matrix,
        'adjacency_coo_matrix': adjacency_coo_matrix,
        'weights_matrix': weights_matrix,
        'attention_bias_vector': attention_bias_vector,
    }


def _add_self_edges(adj, n_nodes):
    loops = jnp.arange(n_nodes, dtype=adj.dtype)
    self_edges = jnp.stack([loops, loops], axis=0)
    return jnp.concatenate([adj, self_edges], axis=1)


def _sparse_softmax(alpha, seg_ids, n_segments):
    # alpha: [E, 1]; softmax grouped by seg_ids
    a = alpha.squeeze(-1)
    seg_max = jax.ops.segment_max(a, seg_ids, num_segments=n_segments)
    a = jnp.exp(a - seg_max[seg_ids])
    seg_sum = jax.ops.segment_sum(a, seg_ids, num_segments=n_segments)
    a = a / (seg_sum[seg_ids] + 1e-16)
    return a[:, None]


def reference(input_matrix, adjacency_coo_matrix, weights_matrix, attention_bias_vector):
    n_nodes = input_matrix.shape[0]
    adj = _add_self_edges(adjacency_coo_matrix, n_nodes)
    weighted_inputs = input_matrix @ weights_matrix  # [N, D_OUT]
    edge_src_idxs = adj[0]
    edge_dst_idxs = adj[1]
    nodes = jnp.take(weighted_inputs, edge_src_idxs, axis=0)
    neighbors = jnp.take(weighted_inputs, edge_dst_idxs, axis=0)
    alpha = jnp.concatenate([nodes, neighbors], axis=1) @ attention_bias_vector.T  # [E, 1]
    alpha = jax.nn.leaky_relu(alpha, negative_slope=SLOPE)
    alpha = _sparse_softmax(alpha, edge_src_idxs, n_nodes)
    neighbors = neighbors * alpha
    out = jnp.zeros_like(weighted_inputs).at[edge_src_idxs].add(neighbors)
    return out

if __name__ == "__main__":
    import jax
    _d = setup_inputs()
    print(jax.jit(kernel)(*tuple(_d.values())))

</pallas_src>

<mosaic_0001>
#map = affine_map<(d0, d1) -> (0)>
module attributes {stable_mosaic.version = 14 : i64} {
  func.func @_coef_kernel(%arg0: i32, %arg1: i32, %arg2: memref<10000xf32, #tpu.memory_space<hbm>>, %arg3: memref<10000xf32, #tpu.memory_space<hbm>>, %arg4: memref<320000xi32, #tpu.memory_space<hbm>>, %arg5: memref<320000xi32, #tpu.memory_space<hbm>>, %arg6: memref<16xf32, #tpu.memory_space<hbm>>, %arg7: memref<320000xf32, #tpu.memory_space<hbm>>, %arg8: memref<10000xf32, #tpu.memory_space<vmem>>, %arg9: memref<10000xf32, #tpu.memory_space<vmem>>, %arg10: memref<16xf32, #tpu.memory_space<vmem>>, %arg11: memref<2000xi32, #tpu.memory_space<vmem>>, %arg12: memref<2000xi32, #tpu.memory_space<vmem>>, %arg13: memref<2000xf32, #tpu.memory_space<vmem>>) attributes {dimension_semantics = [#tpu.dimension_semantics<core_parallel>, #tpu.dimension_semantics<subcore_parallel>], iteration_bounds = array<i64: 2, 16>, scalar_prefetch = 0 : i64, scratch_operands = 6 : i64, tpu.core_type = #tpu.core_type<sc_vector_subcore>, window_params = [{transform_indices = #map}, {transform_indices = #map}, {transform_indices = #map}, {transform_indices = #map}, {transform_indices = #map}, {transform_indices = #map}]} {
    %mul3A = arith.constant 16 : i32
    %mul3A_0 = arith.muli %arg0, %mul3A : i32
    %add3A = arith.addi %mul3A_0, %arg1 : i32
    %mul3A_1 = arith.constant 10000 : i32
    %mul3A_2 = arith.muli %add3A, %mul3A_1 : i32
    "tpu.region"() ({
      %run_scoped3A = tpu.sem_alloc : memref<!tpu.dma_semaphore, #tpu.memory_space<semaphore_mem>>
      tpu.enqueue_dma source(%arg2 : memref<10000xf32, #tpu.memory_space<hbm>>) target(%arg8 : memref<10000xf32, #tpu.memory_space<vmem>>) target_semaphore(%run_scoped3A : memref<!tpu.dma_semaphore, #tpu.memory_space<semaphore_mem>>)
      tpu.wait_dma2 semaphore(%run_scoped3A : memref<!tpu.dma_semaphore, #tpu.memory_space<semaphore_mem>>) src(%arg2 : memref<10000xf32, #tpu.memory_space<hbm>>) dst(%arg8 : memref<10000xf32, #tpu.memory_space<vmem>>)
      tpu.yield
    }) : () -> ()
    "tpu.region"() ({
      %run_scoped3A = tpu.sem_alloc : memref<!tpu.dma_semaphore, #tpu.memory_space<semaphore_mem>>
      tpu.enqueue_dma source(%arg3 : memref<10000xf32, #tpu.memory_space<hbm>>) target(%arg9 : memref<10000xf32, #tpu.memory_space<vmem>>) target_semaphore(%run_scoped3A : memref<!tpu.dma_semaphore, #tpu.memory_space<semaphore_mem>>)
      tpu.wait_dma2 semaphore(%run_scoped3A : memref<!tpu.dma_semaphore, #tpu.memory_space<semaphore_mem>>) src(%arg3 : memref<10000xf32, #tpu.memory_space<hbm>>) dst(%arg9 : memref<10000xf32, #tpu.memory_space<vmem>>)
      tpu.yield
    }) : () -> ()
    "tpu.region"() ({
      %run_scoped3A = tpu.sem_alloc : memref<!tpu.dma_semaphore, #tpu.memory_space<semaphore_mem>>
      tpu.enqueue_dma source(%arg6 : memref<16xf32, #tpu.memory_space<hbm>>) target(%arg10 : memref<16xf32, #tpu.memory_space<vmem>>) target_semaphore(%run_scoped3A : memref<!tpu.dma_semaphore, #tpu.memory_space<semaphore_mem>>)
      tpu.wait_dma2 semaphore(%run_scoped3A : memref<!tpu.dma_semaphore, #tpu.memory_space<semaphore_mem>>) src(%arg6 : memref<16xf32, #tpu.memory_space<hbm>>) dst(%arg10 : memref<16xf32, #tpu.memory_space<vmem>>)
      tpu.yield
    }) : () -> ()
    %get3A = arith.constant 0 : index
    %get3A_3 = tpu.vector_load %arg10[%get3A] {strides = array<i32>} : memref<16xf32, #tpu.memory_space<vmem>>, vector<16xf32>,
    %scan3A = arith.constant 0 : i32
    %scan3A_4 = arith.constant 0 : i32
    %scan3A_5 = arith.constant 5 : i32
    %scan3A_6 = arith.addi %scan3A_4, %scan3A_5 : i32
    %scan3A_7 = arith.constant 1 : i32
    scf.for %scan3A_9 = %scan3A_4 to %scan3A_6 step %scan3A_7  : i32 {
      %mul3A_10 = arith.constant 2000 : i32
      %mul3A_11 = arith.muli %scan3A_9, %mul3A_10 : i32
      %add3A_12 = arith.addi %mul3A_2, %mul3A_11 : i32
      "tpu.region"() ({
        %run_scoped3A = tpu.sem_alloc : memref<!tpu.dma_semaphore, #tpu.memory_space<semaphore_mem>>
        %dma_start3A = tpu.memref_slice %arg4[%add3A_12] : memref<320000xi32, #tpu.memory_space<hbm>> -> memref<2000xi32, #tpu.memory_space<hbm>>
        %dma_start3A_19 = tpu.memref_slice %arg4[%add3A_12] : memref<320000xi32, #tpu.memory_space<hbm>> -> memref<2000xi32, #tpu.memory_space<hbm>>
        tpu.enqueue_dma source(%dma_start3A_19 : memref<2000xi32, #tpu.memory_space<hbm>>) target(%arg11 : memref<2000xi32, #tpu.memory_space<vmem>>) target_semaphore(%run_scoped3A : memref<!tpu.dma_semaphore, #tpu.memory_space<semaphore_mem>>)
        %dma_wait3A = tpu.memref_slice %arg4[%add3A_12] : memref<320000xi32, #tpu.memory_space<hbm>> -> memref<2000xi32, #tpu.memory_space<hbm>>
        %dma_wait3A_20 = tpu.memref_slice %arg4[%add3A_12] : memref<320000xi32, #tpu.memory_space<hbm>> -> memref<2000xi32, #tpu.memory_space<hbm>>
        tpu.wait_dma2 semaphore(%run_scoped3A : memref<!tpu.dma_semaphore, #tpu.memory_space<semaphore_mem>>) src(%dma_wait3A_20 : memref<2000xi32, #tpu.memory_space<hbm>>) dst(%arg11 : memref<2000xi32, #tpu.memory_space<vmem>>)
        tpu.yield
      }) : () -> ()
      "tpu.region"() ({
        %run_scoped3A = tpu.sem_alloc : memref<!tpu.dma_semaphore, #tpu.memory_space<semaphore_mem>>
        %dma_start3A = tpu.memref_slice %arg5[%add3A_12] : memref<320000xi32, #tpu.memory_space<hbm>> -> memref<2000xi32, #tpu.memory_space<hbm>>
        %dma_start3A_19 = tpu.memref_slice %arg5[%add3A_12] : memref<320000xi32, #tpu.memory_space<hbm>> -> memref<2000xi32, #tpu.memory_space<hbm>>
        tpu.enqueue_dma source(%dma_start3A_19 : memref<2000xi32, #tpu.memory_space<hbm>>) target(%arg12 : memref<2000xi32, #tpu.memory_space<vmem>>) target_semaphore(%run_scoped3A : memref<!tpu.dma_semaphore, #tpu.memory_space<semaphore_mem>>)
        %dma_wait3A = tpu.memref_slice %arg5[%add3A_12] : memref<320000xi32, #tpu.memory_space<hbm>> -> memref<2000xi32, #tpu.memory_space<hbm>>
        %dma_wait3A_20 = tpu.memref_slice %arg5[%add3A_12] : memref<320000xi32, #tpu.memory_space<hbm>> -> memref<2000xi32, #tpu.memory_space<hbm>>
        tpu.wait_dma2 semaphore(%run_scoped3A : memref<!tpu.dma_semaphore, #tpu.memory_space<semaphore_mem>>) src(%dma_wait3A_20 : memref<2000xi32, #tpu.memory_space<hbm>>) dst(%arg12 : memref<2000xi32, #tpu.memory_space<vmem>>)
        tpu.yield
      }) : () -> ()
      %scan3A_13 = arith.constant 0 : i32
      %scan3A_14 = arith.constant 0 : i32
      %scan3A_15 = arith.constant 125 : i32
      %scan3A_16 = arith.addi %scan3A_14, %scan3A_15 : i32
      %scan3A_17 = arith.constant 1 : i32
      scf.for %scan3A_19 = %scan3A_14 to %scan3A_16 step %scan3A_17  : i32 {
        %mul3A_20 = arith.constant 16 : i32
        %mul3A_21 = arith.muli %scan3A_19, %mul3A_20 : i32
        %get3A_22 = arith.index_cast %mul3A_21 : i32 to index
        %get3A_23 = tpu.vector_load %arg11[%get3A_22] {strides = array<i32>} : memref<2000xi32, #tpu.memory_space<vmem>>, vector<16xi32>,
        %mul3A_24 = arith.constant 16 : i32
        %mul3A_25 = arith.muli %scan3A_19, %mul3A_24 : i32
        %get3A_26 = arith.index_cast %mul3A_25 : i32 to index
        %get3A_27 = tpu.vector_load %arg12[%get3A_26] {strides = array<i32>} : memref<2000xi32, #tpu.memory_space<vmem>>, vector<16xi32>,
        %gather3A = tpu.vector_load_idx %arg8[%get3A_23] : memref<10000xf32, #tpu.memory_space<vmem>>[vector<16xi32>], vector<16xf32>,
        %gather3A_28 = tpu.vector_load_idx %arg9[%get3A_27] : memref<10000xf32, #tpu.memory_space<vmem>>[vector<16xi32>], vector<16xf32>,
        %add3A_29 = arith.addf %gather3A, %gather3A_28 : vector<16xf32>
        %gt3A = arith.constant 0.000000e+00 : f32
        %gt3A_30 = vector.broadcast %gt3A : f32 to vector<16xf32>
        %gt3A_31 = arith.cmpf ogt, %add3A_29, %gt3A_30 : vector<16xf32>
        %mul3A_32 = arith.constant 2.000000e-01 : f32
        %mul3A_33 = vector.broadcast %mul3A_32 : f32 to vector<16xf32>
        %mul3A_34 = arith.mulf %add3A_29, %mul3A_33 : vector<16xf32>
        %select_n3A = arith.select %gt3A_31, %add3A_29, %mul3A_34 : vector<16xi1>, vector<16xf32>
        %sub3A = arith.subf %select_n3A, %get3A_3 : vector<16xf32>
        %exp3A = math.exp %sub3A : vector<16xf32>
        %mul3A_35 = arith.constant 16 : i32
        %mul3A_36 = arith.muli %scan3A_19, %mul3A_35 : i32
        %swap3A = arith.index_cast %mul3A_36 : i32 to index
        %swap3A_37 = tpu.vector_load %arg13[%swap3A] {strides = array<i32>} : memref<2000xf32, #tpu.memory_space<vmem>>, vector<16xf32>,
        tpu.vector_store %arg13[%swap3A], %exp3A {strides = array<i32>} : memref<2000xf32, #tpu.memory_space<vmem>>, vector<16xf32>,
      }
      %scan3A_18 = arith.constant 125 : i32
      "tpu.region"() ({
        %run_scoped3A = tpu.sem_alloc : memref<!tpu.dma_semaphore, #tpu.memory_space<semaphore_mem>>
        %dma_start3A = tpu.memref_slice %arg7[%add3A_12] : memref<320000xf32, #tpu.memory_space<hbm>> -> memref<2000xf32, #tpu.memory_space<hbm>>
        %dma_start3A_19 = tpu.memref_slice %arg7[%add3A_12] : memref<320000xf32, #tpu.memory_space<hbm>> -> memref<2000xf32, #tpu.memory_space<hbm>>
        tpu.enqueue_dma source(%arg13 : memref<2000xf32, #tpu.memory_space<vmem>>) target(%dma_start3A_19 : memref<2000xf32, #tpu.memory_space<hbm>>) target_semaphore(%run_scoped3A : memref<!tpu.dma_semaphore, #tpu.memory_space<semaphore_mem>>)
        %dma_wait3A = tpu.memref_slice %arg7[%add3A_12] : memref<320000xf32, #tpu.memory_space<hbm>> -> memref<2000xf32, #tpu.memory_space<hbm>>
        %dma_wait3A_20 = tpu.memref_slice %arg7[%add3A_12] : memref<320000xf32, #tpu.memory_space<hbm>> -> memref<2000xf32, #tpu.memory_space<hbm>>
        tpu.wait_dma2 semaphore(%run_scoped3A : memref<!tpu.dma_semaphore, #tpu.memory_space<semaphore_mem>>) src(%arg13 : memref<2000xf32, #tpu.memory_space<vmem>>) dst(%dma_wait3A_20 : memref<2000xf32, #tpu.memory_space<hbm>>)
        tpu.yield
      }) : () -> ()
    }
    %scan3A_8 = arith.constant 5 : i32
    return
  }
}

#map = affine_map<(d0, d1) -> (0, 0)>
#map1 = affine_map<(d0, d1) -> (0)>
#map2 = affine_map<(d0, d1) -> (0, 0, 0)>
module attributes {stable_mosaic.version = 14 : i64} {
  func.func @_edge_kernel(%arg0: i32, %arg1: i32, %arg2: memref<10000x144xf32, #tpu.memory_space<hbm>>, %arg3: memref<4000x80xi32, #tpu.memory_space<hbm>>, %arg4: memref<4000x80xi32, #tpu.memory_space<hbm>>, %arg5: memref<320000xf32, #tpu.memory_space<hbm>>, %arg6: memref<2x10000x144xf32, #tpu.memory_space<hbm>>, %arg7: memref<125x80xi32, #tpu.memory_space<vmem>>, %arg8: memref<25x80xi32, #tpu.memory_space<vmem>>, %arg9: memref<2016xf32, #tpu.memory_space<vmem>>, %arg10: memref<80x144xf32, #tpu.memory_space<vmem>>, %arg11: memref<80x144xf32, #tpu.memory_space<vmem>>, %arg12: memref<10000x144xf32, #tpu.memory_space<vmem_shared>>, %arg13: memref<!tpu.dma_semaphore, #tpu.memory_space<semaphore_mem>>, %arg14: memref<!tpu.dma_semaphore, #tpu.memory_space<semaphore_mem>>) attributes {dimension_semantics = [#tpu.dimension_semantics<core_parallel>, #tpu.dimension_semantics<subcore_parallel>], iteration_bounds = array<i64: 2, 16>, scalar_prefetch = 0 : i64, scratch_operands = 8 : i64, tpu.core_type = #tpu.core_type<sc_vector_subcore>, window_params = [{transform_indices = #map}, {transform_indices = #map}, {transform_indices = #map}, {transform_indices = #map1}, {transform_indices = #map2}]} {
    %mul3A = arith.constant 16 : i32
    %mul3A_0 = arith.muli %arg0, %mul3A : i32
    %add3A = arith.addi %mul3A_0, %arg1 : i32
    %scan3A = arith.constant 0 : i32
    %scan3A_1 = arith.constant 0 : i32
    %scan3A_2 = arith.constant 720 : i32
    %scan3A_3 = arith.addi %scan3A_1, %scan3A_2 : i32
    %scan3A_4 = arith.constant 1 : i32
    scf.for %scan3A_78 = %scan3A_1 to %scan3A_3 step %scan3A_4  : i32 {
      %jit3A = arith.constant 9 : i32
      %div3A = arith.divsi %scan3A_78, %jit3A : i32
      %sign3A = arith.constant 0 : i32
      %sign3A_79 = arith.cmpi sgt, %scan3A_78, %sign3A : i32
      %sign3A_80 = arith.extui %sign3A_79 : i1 to i32
      %sign3A_81 = arith.constant 0 : i32
      %sign3A_82 = arith.cmpi slt, %scan3A_78, %sign3A_81 : i32
      %sign3A_83 = arith.extui %sign3A_82 : i1 to i32
      %sign3A_84 = arith.subi %sign3A_80, %sign3A_83 : i32
      %sign3A_85 = arith.constant 0 : i32
      %sign3A_86 = arith.cmpi sgt, %jit3A, %sign3A_85 : i32
      %sign3A_87 = arith.extui %sign3A_86 : i1 to i32
      %sign3A_88 = arith.constant 0 : i32
      %sign3A_89 = arith.cmpi slt, %jit3A, %sign3A_88 : i32
      %sign3A_90 = arith.extui %sign3A_89 : i1 to i32
      %sign3A_91 = arith.subi %sign3A_87, %sign3A_90 : i32
      %ne3A = arith.cmpi ne, %sign3A_84, %sign3A_91 : i32
      %rem3A = arith.remsi %scan3A_78, %jit3A : i32
      %ne3A_92 = arith.constant 0 : i32
      %ne3A_93 = arith.cmpi ne, %rem3A, %ne3A_92 : i32
      %and3A = arith.andi %ne3A, %ne3A_93 : i1
      %sub3A = arith.constant 1 : i32
      %sub3A_94 = arith.subi %div3A, %sub3A : i32
      %select_n3A = arith.select %and3A, %sub3A_94, %div3A : i32
      %jit3A_95 = arith.constant 9 : i32
      %eq3A_96 = arith.constant 0 : i32
      %eq3A_97 = arith.cmpi eq, %jit3A_95, %eq3A_96 : i32
      %jit3A_98 = arith.constant 1 : i32
      %select_n3A_99 = arith.select %eq3A_97, %jit3A_98, %jit3A_95 : i32
      %rem3A_100 = arith.remsi %scan3A_78, %select_n3A_99 : i32
      %ne3A_101 = arith.constant 0 : i32
      %ne3A_102 = arith.cmpi ne, %rem3A_100, %ne3A_101 : i32
      %lt3A_103 = arith.constant 0 : i32
      %lt3A_104 = arith.cmpi slt, %rem3A_100, %lt3A_103 : i32
      %lt3A_105 = arith.constant 0 : i32
      %lt3A_106 = arith.cmpi slt, %select_n3A_99, %lt3A_105 : i32
      %ne3A_107 = arith.xori %lt3A_104, %lt3A_106 : i1
      %and3A_108 = arith.andi %ne3A_107, %ne3A_102 : i1
      %add3A_109 = arith.addi %rem3A_100, %select_n3A_99 : i32
      %select_n3A_110 = arith.select %and3A_108, %add3A_109, %rem3A_100 : i32
      %mul3A_111 = arith.constant 16 : i32
      %mul3A_112 = arith.muli %select_n3A_110, %mul3A_111 : i32
      %broadcast_in_dim3A = arith.constant 0.000000e+00 : f32
      %broadcast_in_dim3A_113 = vector.broadcast %broadcast_in_dim3A : f32 to vector<16xf32>
      %swap3A = arith.index_cast %select_n3A : i32 to index
      %swap3A_114 = arith.index_cast %mul3A_112 : i32 to index
      %swap3A_115 = tpu.vector_load %arg10[%swap3A, %swap3A_114] {strides = array<i32>} : memref<80x144xf32, #tpu.memory_space<vmem>>, vector<16xf32>,
      tpu.vector_store %arg10[%swap3A, %swap3A_114], %broadcast_in_dim3A_113 {strides = array<i32>} : memref<80x144xf32, #tpu.memory_space<vmem>>, vector<16xf32>,
    }
    %scan3A_5 = arith.constant 720 : i32
    %add3A_6 = arith.constant 0 : i32
    %add3A_7 = arith.addi %arg1, %add3A_6 : i32
    %lt3A = arith.constant 125 : i32
    %lt3A_8 = arith.cmpi slt, %add3A_7, %lt3A : i32
    %convert_element_type3A = arith.extui %lt3A_8 : i1 to i32
    %cond3A = arith.constant 0 : i32
    %cond3A_9 = arith.cmpi ne, %convert_element_type3A, %cond3A : i32
    scf.if %cond3A_9 {
      %mul3A_78 = arith.constant 80 : i32
      %mul3A_79 = arith.muli %add3A_7, %mul3A_78 : i32
      "tpu.region"() ({
        %run_scoped3A = tpu.sem_alloc : memref<!tpu.dma_semaphore, #tpu.memory_space<semaphore_mem>>
        %dma_start3A_80 = arith.constant 0 : i32
        %dma_start3A_81 = tpu.memref_slice %arg12[%mul3A_79, %dma_start3A_80] : memref<10000x144xf32, #tpu.memory_space<vmem_shared>> -> memref<80x144xf32, #tpu.memory_space<vmem_shared>>
        %dma_start3A_82 = arith.constant 0 : i32
        %dma_start3A_83 = tpu.memref_slice %arg12[%mul3A_79, %dma_start3A_82] : memref<10000x144xf32, #tpu.memory_space<vmem_shared>> -> memref<80x144xf32, #tpu.memory_space<vmem_shared>>
        tpu.enqueue_dma source(%arg10 : memref<80x144xf32, #tpu.memory_space<vmem>>) target(%dma_start3A_83 : memref<80x144xf32, #tpu.memory_space<vmem_shared>>) target_semaphore(%run_scoped3A : memref<!tpu.dma_semaphore, #tpu.memory_space<semaphore_mem>>)
        %dma_wait3A = arith.constant 0 : i32
        %dma_wait3A_84 = tpu.memref_slice %arg12[%mul3A_79, %dma_wait3A] : memref<10000x144xf32, #tpu.memory_space<vmem_shared>> -> memref<80x144xf32, #tpu.memory_space<vmem_shared>>
        %dma_wait3A_85 = arith.constant 0 : i32
        %dma_wait3A_86 = tpu.memref_slice %arg12[%mul3A_79, %dma_wait3A_85] : memref<10000x144xf32, #tpu.memory_space<vmem_shared>> -> memref<80x144xf32, #tpu.memory_space<vmem_shared>>
        tpu.wait_dma2 semaphore(%run_scoped3A : memref<!tpu.dma_semaphore, #tpu.memory_space<semaphore_mem>>) src(%arg10 : memref<80x144xf32, #tpu.memory_space<vmem>>) dst(%dma_wait3A_86 : memref<80x144xf32, #tpu.memory_space<vmem_shared>>)
        tpu.yield
      }) : () -> ()
    } else {
    }
    %add3A_10 = arith.constant 16 : i32
    %add3A_11 = arith.addi %arg1, %add3A_10 : i32
    %lt3A_12 = arith.constant 125 : i32
    %lt3A_13 = arith.cmpi slt, %add3A_11, %lt3A_12 : i32
    %convert_element_type3A_14 = arith.extui %lt3A_13 : i1 to i32
    %cond3A_15 = arith.constant 0 : i32
    %cond3A_16 = arith.cmpi ne, %convert_element_type3A_14, %cond3A_15 : i32
    scf.if %cond3A_16 {
      %mul3A_78 = arith.constant 80 : i32
      %mul3A_79 = arith.muli %add3A_11, %mul3A_78 : i32
      "tpu.region"() ({
        %run_scoped3A = tpu.sem_alloc : memref<!tpu.dma_semaphore, #tpu.memory_space<semaphore_mem>>
        %dma_start3A_80 = arith.constant 0 : i32
        %dma_start3A_81 = tpu.memref_slice %arg12[%mul3A_79, %dma_start3A_80] : memref<10000x144xf32, #tpu.memory_space<vmem_shared>> -> memref<80x144xf32, #tpu.memory_space<vmem_shared>>
        %dma_start3A_82 = arith.constant 0 : i32
        %dma_start3A_83 = tpu.memref_slice %arg12[%mul3A_79, %dma_start3A_82] : memref<10000x144xf32, #tpu.memory_space<vmem_shared>> -> memref<80x144xf32, #tpu.memory_space<vmem_shared>>
        tpu.enqueue_dma source(%arg10 : memref<80x144xf32, #tpu.memory_space<vmem>>) target(%dma_start3A_83 : memref<80x144xf32, #tpu.memory_space<vmem_shared>>) target_semaphore(%run_scoped3A : memref<!tpu.dma_semaphore, #tpu.memory_space<semaphore_mem>>)
        %dma_wait3A = arith.constant 0 : i32
        %dma_wait3A_84 = tpu.memref_slice %arg12[%mul3A_79, %dma_wait3A] : memref<10000x144xf32, #tpu.memory_space<vmem_shared>> -> memref<80x144xf32, #tpu.memory_space<vmem_shared>>
        %dma_wait3A_85 = arith.constant 0 : i32
        %dma_wait3A_86 = tpu.memref_slice %arg12[%mul3A_79, %dma_wait3A_85] : memref<10000x144xf32, #tpu.memory_space<vmem_shared>> -> memref<80x144xf32, #tpu.memory_space<vmem_shared>>
        tpu.wait_dma2 semaphore(%run_scoped3A : memref<!tpu.dma_semaphore, #tpu.memory_space<semaphore_mem>>) src(%arg10 : memref<80x144xf32, #tpu.memory_space<vmem>>) dst(%dma_wait3A_86 : memref<80x144xf32, #tpu.memory_space<vmem_shared>>)
        tpu.yield
      }) : () -> ()
    } else {
    }
    %add3A_17 = arith.constant 32 : i32
    %add3A_18 = arith.addi %arg1, %add3A_17 : i32
    %lt3A_19 = arith.constant 125 : i32
    %lt3A_20 = arith.cmpi slt, %add3A_18, %lt3A_19 : i32
    %convert_element_type3A_21 = arith.extui %lt3A_20 : i1 to i32
    %cond3A_22 = arith.constant 0 : i32
    %cond3A_23 = arith.cmpi ne, %convert_element_type3A_21, %cond3A_22 : i32
    scf.if %cond3A_23 {
      %mul3A_78 = arith.constant 80 : i32
      %mul3A_79 = arith.muli %add3A_18, %mul3A_78 : i32
      "tpu.region"() ({
        %run_scoped3A = tpu.sem_alloc : memref<!tpu.dma_semaphore, #tpu.memory_space<semaphore_mem>>
        %dma_start3A_80 = arith.constant 0 : i32
        %dma_start3A_81 = tpu.memref_slice %arg12[%mul3A_79, %dma_start3A_80] : memref<10000x144xf32, #tpu.memory_space<vmem_shared>> -> memref<80x144xf32, #tpu.memory_space<vmem_shared>>
        %dma_start3A_82 = arith.constant 0 : i32
        %dma_start3A_83 = tpu.memref_slice %arg12[%mul3A_79, %dma_start3A_82] : memref<10000x144xf32, #tpu.memory_space<vmem_shared>> -> memref<80x144xf32, #tpu.memory_space<vmem_shared>>
        tpu.enqueue_dma source(%arg10 : memref<80x144xf32, #tpu.memory_space<vmem>>) target(%dma_start3A_83 : memref<80x144xf32, #tpu.memory_space<vmem_shared>>) target_semaphore(%run_scoped3A : memref<!tpu.dma_semaphore, #tpu.memory_space<semaphore_mem>>)
        %dma_wait3A = arith.constant 0 : i32
        %dma_wait3A_84 = tpu.memref_slice %arg12[%mul3A_79, %dma_wait3A] : memref<10000x144xf32, #tpu.memory_space<vmem_shared>> -> memref<80x144xf32, #tpu.memory_space<vmem_shared>>
        %dma_wait3A_85 = arith.constant 0 : i32
        %dma_wait3A_86 = tpu.memref_slice %arg12[%mul3A_79, %dma_wait3A_85] : memref<10000x144xf32, #tpu.memory_space<vmem_shared>> -> memref<80x144xf32, #tpu.memory_space<vmem_shared>>
        tpu.wait_dma2 semaphore(%run_scoped3A : memref<!tpu.dma_semaphore, #tpu.memory_space<semaphore_mem>>) src(%arg10 : memref<80x144xf32, #tpu.memory_space<vmem>>) dst(%dma_wait3A_86 : memref<80x144xf32, #tpu.memory_space<vmem_shared>>)
        tpu.yield
      }) : () -> ()
    } else {
    }
    %add3A_24 = arith.constant 48 : i32
    %add3A_25 = arith.addi %arg1, %add3A_24 : i32
    %lt3A_26 = arith.constant 125 : i32
    %lt3A_27 = arith.cmpi slt, %add3A_25, %lt3A_26 : i32
    %convert_element_type3A_28 = arith.extui %lt3A_27 : i1 to i32
    %cond3A_29 = arith.constant 0 : i32
    %cond3A_30 = arith.cmpi ne, %convert_element_type3A_28, %cond3A_29 : i32
    scf.if %cond3A_30 {
      %mul3A_78 = arith.constant 80 : i32
      %mul3A_79 = arith.muli %add3A_25, %mul3A_78 : i32
      "tpu.region"() ({
        %run_scoped3A = tpu.sem_alloc : memref<!tpu.dma_semaphore, #tpu.memory_space<semaphore_mem>>
        %dma_start3A_80 = arith.constant 0 : i32
        %dma_start3A_81 = tpu.memref_slice %arg12[%mul3A_79, %dma_start3A_80] : memref<10000x144xf32, #tpu.memory_space<vmem_shared>> -> memref<80x144xf32, #tpu.memory_space<vmem_shared>>
        %dma_start3A_82 = arith.constant 0 : i32
        %dma_start3A_83 = tpu.memref_slice %arg12[%mul3A_79, %dma_start3A_82] : memref<10000x144xf32, #tpu.memory_space<vmem_shared>> -> memref<80x144xf32, #tpu.memory_space<vmem_shared>>
        tpu.enqueue_dma source(%arg10 : memref<80x144xf32, #tpu.memory_space<vmem>>) target(%dma_start3A_83 : memref<80x144xf32, #tpu.memory_space<vmem_shared>>) target_semaphore(%run_scoped3A : memref<!tpu.dma_semaphore, #tpu.memory_space<semaphore_mem>>)
        %dma_wait3A = arith.constant 0 : i32
        %dma_wait3A_84 = tpu.memref_slice %arg12[%mul3A_79, %dma_wait3A] : memref<10000x144xf32, #tpu.memory_space<vmem_shared>> -> memref<80x144xf32, #tpu.memory_space<vmem_shared>>
        %dma_wait3A_85 = arith.constant 0 : i32
        %dma_wait3A_86 = tpu.memref_slice %arg12[%mul3A_79, %dma_wait3A_85] : memref<10000x144xf32, #tpu.memory_space<vmem_shared>> -> memref<80x144xf32, #tpu.memory_space<vmem_shared>>
        tpu.wait_dma2 semaphore(%run_scoped3A : memref<!tpu.dma_semaphore, #tpu.memory_space<semaphore_mem>>) src(%arg10 : memref<80x144xf32, #tpu.memory_space<vmem>>) dst(%dma_wait3A_86 : memref<80x144xf32, #tpu.memory_space<vmem_shared>>)
        tpu.yield
      }) : () -> ()
    } else {
    }
    %add3A_31 = arith.constant 64 : i32
    %add3A_32 = arith.addi %arg1, %add3A_31 : i32
    %lt3A_33 = arith.constant 125 : i32
    %lt3A_34 = arith.cmpi slt, %add3A_32, %lt3A_33 : i32
    %convert_element_type3A_35 = arith.extui %lt3A_34 : i1 to i32
    %cond3A_36 = arith.constant 0 : i32
    %cond3A_37 = arith.cmpi ne, %convert_element_type3A_35, %cond3A_36 : i32
    scf.if %cond3A_37 {
      %mul3A_78 = arith.constant 80 : i32
      %mul3A_79 = arith.muli %add3A_32, %mul3A_78 : i32
      "tpu.region"() ({
        %run_scoped3A = tpu.sem_alloc : memref<!tpu.dma_semaphore, #tpu.memory_space<semaphore_mem>>
        %dma_start3A_80 = arith.constant 0 : i32
        %dma_start3A_81 = tpu.memref_slice %arg12[%mul3A_79, %dma_start3A_80] : memref<10000x144xf32, #tpu.memory_space<vmem_shared>> -> memref<80x144xf32, #tpu.memory_space<vmem_shared>>
        %dma_start3A_82 = arith.constant 0 : i32
        %dma_start3A_83 = tpu.memref_slice %arg12[%mul3A_79, %dma_start3A_82] : memref<10000x144xf32, #tpu.memory_space<vmem_shared>> -> memref<80x144xf32, #tpu.memory_space<vmem_shared>>
        tpu.enqueue_dma source(%arg10 : memref<80x144xf32, #tpu.memory_space<vmem>>) target(%dma_start3A_83 : memref<80x144xf32, #tpu.memory_space<vmem_shared>>) target_semaphore(%run_scoped3A : memref<!tpu.dma_semaphore, #tpu.memory_space<semaphore_mem>>)
        %dma_wait3A = arith.constant 0 : i32
        %dma_wait3A_84 = tpu.memref_slice %arg12[%mul3A_79, %dma_wait3A] : memref<10000x144xf32, #tpu.memory_space<vmem_shared>> -> memref<80x144xf32, #tpu.memory_space<vmem_shared>>
        %dma_wait3A_85 = arith.constant 0 : i32
        %dma_wait3A_86 = tpu.memref_slice %arg12[%mul3A_79, %dma_wait3A_85] : memref<10000x144xf32, #tpu.memory_space<vmem_shared>> -> memref<80x144xf32, #tpu.memory_space<vmem_shared>>
        tpu.wait_dma2 semaphore(%run_scoped3A : memref<!tpu.dma_semaphore, #tpu.memory_space<semaphore_mem>>) src(%arg10 : memref<80x144xf32, #tpu.memory_space<vmem>>) dst(%dma_wait3A_86 : memref<80x144xf32, #tpu.memory_space<vmem_shared>>)
        tpu.yield
      }) : () -> ()
    } else {
    }
    %add3A_38 = arith.constant 80 : i32
    %add3A_39 = arith.addi %arg1, %add3A_38 : i32
    %lt3A_40 = arith.constant 125 : i32
    %lt3A_41 = arith.cmpi slt, %add3A_39, %lt3A_40 : i32
    %convert_element_type3A_42 = arith.extui %lt3A_41 : i1 to i32
    %cond3A_43 = arith.constant 0 : i32
    %cond3A_44 = arith.cmpi ne, %convert_element_type3A_42, %cond3A_43 : i32
    scf.if %cond3A_44 {
      %mul3A_78 = arith.constant 80 : i32
      %mul3A_79 = arith.muli %add3A_39, %mul3A_78 : i32
      "tpu.region"() ({
        %run_scoped3A = tpu.sem_alloc : memref<!tpu.dma_semaphore, #tpu.memory_space<semaphore_mem>>
        %dma_start3A_80 = arith.constant 0 : i32
        %dma_start3A_81 = tpu.memref_slice %arg12[%mul3A_79, %dma_start3A_80] : memref<10000x144xf32, #tpu.memory_space<vmem_shared>> -> memref<80x144xf32, #tpu.memory_space<vmem_shared>>
        %dma_start3A_82 = arith.constant 0 : i32
        %dma_start3A_83 = tpu.memref_slice %arg12[%mul3A_79, %dma_start3A_82] : memref<10000x144xf32, #tpu.memory_space<vmem_shared>> -> memref<80x144xf32, #tpu.memory_space<vmem_shared>>
        tpu.enqueue_dma source(%arg10 : memref<80x144xf32, #tpu.memory_space<vmem>>) target(%dma_start3A_83 : memref<80x144xf32, #tpu.memory_space<vmem_shared>>) target_semaphore(%run_scoped3A : memref<!tpu.dma_semaphore, #tpu.memory_space<semaphore_mem>>)
        %dma_wait3A = arith.constant 0 : i32
        %dma_wait3A_84 = tpu.memref_slice %arg12[%mul3A_79, %dma_wait3A] : memref<10000x144xf32, #tpu.memory_space<vmem_shared>> -> memref<80x144xf32, #tpu.memory_space<vmem_shared>>
        %dma_wait3A_85 = arith.constant 0 : i32
        %dma_wait3A_86 = tpu.memref_slice %arg12[%mul3A_79, %dma_wait3A_85] : memref<10000x144xf32, #tpu.memory_space<vmem_shared>> -> memref<80x144xf32, #tpu.memory_space<vmem_shared>>
        tpu.wait_dma2 semaphore(%run_scoped3A : memref<!tpu.dma_semaphore, #tpu.memory_space<semaphore_mem>>) src(%arg10 : memref<80x144xf32, #tpu.memory_space<vmem>>) dst(%dma_wait3A_86 : memref<80x144xf32, #tpu.memory_space<vmem_shared>>)
        tpu.yield
      }) : () -> ()
    } else {
    }
    %add3A_45 = arith.constant 96 : i32
    %add3A_46 = arith.addi %arg1, %add3A_45 : i32
    %lt3A_47 = arith.constant 125 : i32
    %lt3A_48 = arith.cmpi slt, %add3A_46, %lt3A_47 : i32
    %convert_element_type3A_49 = arith.extui %lt3A_48 : i1 to i32
    %cond3A_50 = arith.constant 0 : i32
    %cond3A_51 = arith.cmpi ne, %convert_element_type3A_49, %cond3A_50 : i32
    scf.if %cond3A_51 {
      %mul3A_78 = arith.constant 80 : i32
      %mul3A_79 = arith.muli %add3A_46, %mul3A_78 : i32
      "tpu.region"() ({
        %run_scoped3A = tpu.sem_alloc : memref<!tpu.dma_semaphore, #tpu.memory_space<semaphore_mem>>
        %dma_start3A_80 = arith.constant 0 : i32
        %dma_start3A_81 = tpu.memref_slice %arg12[%mul3A_79, %dma_start3A_80] : memref<10000x144xf32, #tpu.memory_space<vmem_shared>> -> memref<80x144xf32, #tpu.memory_space<vmem_shared>>
        %dma_start3A_82 = arith.constant 0 : i32
        %dma_start3A_83 = tpu.memref_slice %arg12[%mul3A_79, %dma_start3A_82] : memref<10000x144xf32, #tpu.memory_space<vmem_shared>> -> memref<80x144xf32, #tpu.memory_space<vmem_shared>>
        tpu.enqueue_dma source(%arg10 : memref<80x144xf32, #tpu.memory_space<vmem>>) target(%dma_start3A_83 : memref<80x144xf32, #tpu.memory_space<vmem_shared>>) target_semaphore(%run_scoped3A : memref<!tpu.dma_semaphore, #tpu.memory_space<semaphore_mem>>)
        %dma_wait3A = arith.constant 0 : i32
        %dma_wait3A_84 = tpu.memref_slice %arg12[%mul3A_79, %dma_wait3A] : memref<10000x144xf32, #tpu.memory_space<vmem_shared>> -> memref<80x144xf32, #tpu.memory_space<vmem_shared>>
        %dma_wait3A_85 = arith.constant 0 : i32
        %dma_wait3A_86 = tpu.memref_slice %arg12[%mul3A_79, %dma_wait3A_85] : memref<10000x144xf32, #tpu.memory_space<vmem_shared>> -> memref<80x144xf32, #tpu.memory_space<vmem_shared>>
        tpu.wait_dma2 semaphore(%run_scoped3A : memref<!tpu.dma_semaphore, #tpu.memory_space<semaphore_mem>>) src(%arg10 : memref<80x144xf32, #tpu.memory_space<vmem>>) dst(%dma_wait3A_86 : memref<80x144xf32, #tpu.memory_space<vmem_shared>>)
        tpu.yield
      }) : () -> ()
    } else {
    }
    %add3A_52 = arith.constant 112 : i32
    %add3A_53 = arith.addi %arg1, %add3A_52 : i32
    %lt3A_54 = arith.constant 125 : i32
    %lt3A_55 = arith.cmpi slt, %add3A_53, %lt3A_54 : i32
    %convert_element_type3A_56 = arith.extui %lt3A_55 : i1 to i32
    %cond3A_57 = arith.constant 0 : i32
    %cond3A_58 = arith.cmpi ne, %convert_element_type3A_56, %cond3A_57 : i32
    scf.if %cond3A_58 {
      %mul3A_78 = arith.constant 80 : i32
      %mul3A_79 = arith.muli %add3A_53, %mul3A_78 : i32
      "tpu.region"() ({
        %run_scoped3A = tpu.sem_alloc : memref<!tpu.dma_semaphore, #tpu.memory_space<semaphore_mem>>
        %dma_start3A_80 = arith.constant 0 : i32
        %dma_start3A_81 = tpu.memref_slice %arg12[%mul3A_79, %dma_start3A_80] : memref<10000x144xf32, #tpu.memory_space<vmem_shared>> -> memref<80x144xf32, #tpu.memory_space<vmem_shared>>
        %dma_start3A_82 = arith.constant 0 : i32
        %dma_start3A_83 = tpu.memref_slice %arg12[%mul3A_79, %dma_start3A_82] : memref<10000x144xf32, #tpu.memory_space<vmem_shared>> -> memref<80x144xf32, #tpu.memory_space<vmem_shared>>
        tpu.enqueue_dma source(%arg10 : memref<80x144xf32, #tpu.memory_space<vmem>>) target(%dma_start3A_83 : memref<80x144xf32, #tpu.memory_space<vmem_shared>>) target_semaphore(%run_scoped3A : memref<!tpu.dma_semaphore, #tpu.memory_space<semaphore_mem>>)
        %dma_wait3A = arith.constant 0 : i32
        %dma_wait3A_84 = tpu.memref_slice %arg12[%mul3A_79, %dma_wait3A] : memref<10000x144xf32, #tpu.memory_space<vmem_shared>> -> memref<80x144xf32, #tpu.memory_space<vmem_shared>>
        %dma_wait3A_85 = arith.constant 0 : i32
        %dma_wait3A_86 = tpu.memref_slice %arg12[%mul3A_79, %dma_wait3A_85] : memref<10000x144xf32, #tpu.memory_space<vmem_shared>> -> memref<80x144xf32, #tpu.memory_space<vmem_shared>>
        tpu.wait_dma2 semaphore(%run_scoped3A : memref<!tpu.dma_semaphore, #tpu.memory_space<semaphore_mem>>) src(%arg10 : memref<80x144xf32, #tpu.memory_space<vmem>>) dst(%dma_wait3A_86 : memref<80x144xf32, #tpu.memory_space<vmem_shared>>)
        tpu.yield
      }) : () -> ()
    } else {
    }
    %mul3A_59 = arith.constant 125 : i32
    %mul3A_60 = arith.muli %add3A, %mul3A_59 : i32
    "tpu.region"() ({
      %run_scoped3A = tpu.sem_alloc : memref<!tpu.dma_semaphore, #tpu.memory_space<semaphore_mem>>
      %dma_start3A_78 = arith.constant 0 : i32
      %dma_start3A_79 = tpu.memref_slice %arg4[%mul3A_60, %dma_start3A_78] : memref<4000x80xi32, #tpu.memory_space<hbm>> -> memref<125x80xi32, #tpu.memory_space<hbm>>
      %dma_start3A_80 = arith.constant 0 : i32
      %dma_start3A_81 = tpu.memref_slice %arg4[%mul3A_60, %dma_start3A_80] : memref<4000x80xi32, #tpu.memory_space<hbm>> -> memref<125x80xi32, #tpu.memory_space<hbm>>
      tpu.enqueue_dma source(%dma_start3A_81 : memref<125x80xi32, #tpu.memory_space<hbm>>) target(%arg7 : memref<125x80xi32, #tpu.memory_space<vmem>>) target_semaphore(%run_scoped3A : memref<!tpu.dma_semaphore, #tpu.memory_space<semaphore_mem>>)
      %dma_wait3A = arith.constant 0 : i32
      %dma_wait3A_82 = tpu.memref_slice %arg4[%mul3A_60, %dma_wait3A] : memref<4000x80xi32, #tpu.memory_space<hbm>> -> memref<125x80xi32, #tpu.memory_space<hbm>>
      %dma_wait3A_83 = arith.constant 0 : i32
      %dma_wait3A_84 = tpu.memref_slice %arg4[%mul3A_60, %dma_wait3A_83] : memref<4000x80xi32, #tpu.memory_space<hbm>> -> memref<125x80xi32, #tpu.memory_space<hbm>>
      tpu.wait_dma2 semaphore(%run_scoped3A : memref<!tpu.dma_semaphore, #tpu.memory_space<semaphore_mem>>) src(%dma_wait3A_84 : memref<125x80xi32, #tpu.memory_space<hbm>>) dst(%arg7 : memref<125x80xi32, #tpu.memory_space<vmem>>)
      tpu.yield
    }) : () -> ()
    %barrier3A = arith.constant 0 : index
    tpu.barrier barrier_id(%barrier3A)
    %dma_start3A = arith.constant 0 : i32
    %dma_start3A_61 = arith.constant 0 : i32
    %dma_start3A_62 = tpu.memref_slice %arg7[%dma_start3A, %dma_start3A_61] : memref<125x80xi32, #tpu.memory_space<vmem>> -> memref<1x80xi32, #tpu.memory_space<vmem>>
    %dma_start3A_63 = tpu.memref_squeeze %dma_start3A_62 : memref<1x80xi32, #tpu.memory_space<vmem>> -> memref<80xi32, #tpu.memory_space<vmem>>
    %dma_start3A_64 = arith.constant 0 : i32
    %dma_start3A_65 = arith.constant 0 : i32
    %dma_start3A_66 = tpu.memref_slice %arg2[%dma_start3A_64, %dma_start3A_65] : memref<10000x144xf32, #tpu.memory_space<hbm>> -> memref<10000x144xf32, #tpu.memory_space<hbm>>
    tpu.enqueue_indirect_dma source(%dma_start3A_66 : memref<10000x144xf32, #tpu.memory_space<hbm>>) target(%arg10 : memref<80x144xf32, #tpu.memory_space<vmem>>) offsets(%dma_start3A_63 : memref<80xi32, #tpu.memory_space<vmem>>) semaphore(%arg13 : memref<!tpu.dma_semaphore, #tpu.memory_space<semaphore_mem>>)
    %scan3A_67 = arith.constant 0 : i32
    %scan3A_68 = arith.constant 0 : i32
    %scan3A_69 = arith.constant 5 : i32
    %scan3A_70 = arith.addi %scan3A_68, %scan3A_69 : i32
    %scan3A_71 = arith.constant 1 : i32
    scf.for %scan3A_78 = %scan3A_68 to %scan3A_70 step %scan3A_71  : i32 {
      %mul3A_79 = arith.constant 125 : i32
      %mul3A_80 = arith.muli %add3A, %mul3A_79 : i32
      %mul3A_81 = arith.constant 25 : i32
      %mul3A_82 = arith.muli %scan3A_78, %mul3A_81 : i32
      %add3A_83 = arith.addi %mul3A_80, %mul3A_82 : i32
      "tpu.region"() ({
        %run_scoped3A = tpu.sem_alloc : memref<!tpu.dma_semaphore, #tpu.memory_space<semaphore_mem>>
        %dma_start3A_95 = arith.constant 0 : i32
        %dma_start3A_96 = tpu.memref_slice %arg3[%add3A_83, %dma_start3A_95] : memref<4000x80xi32, #tpu.memory_space<hbm>> -> memref<25x80xi32, #tpu.memory_space<hbm>>
        %dma_start3A_97 = arith.constant 0 : i32
        %dma_start3A_98 = tpu.memref_slice %arg3[%add3A_83, %dma_start3A_97] : memref<4000x80xi32, #tpu.memory_space<hbm>> -> memref<25x80xi32, #tpu.memory_space<hbm>>
        tpu.enqueue_dma source(%dma_start3A_98 : memref<25x80xi32, #tpu.memory_space<hbm>>) target(%arg8 : memref<25x80xi32, #tpu.memory_space<vmem>>) target_semaphore(%run_scoped3A : memref<!tpu.dma_semaphore, #tpu.memory_space<semaphore_mem>>)
        %dma_wait3A = arith.constant 0 : i32
        %dma_wait3A_99 = tpu.memref_slice %arg3[%add3A_83, %dma_wait3A] : memref<4000x80xi32, #tpu.memory_space<hbm>> -> memref<25x80xi32, #tpu.memory_space<hbm>>
        %dma_wait3A_100 = arith.constant 0 : i32
        %dma_wait3A_101 = tpu.memref_slice %arg3[%add3A_83, %dma_wait3A_100] : memref<4000x80xi32, #tpu.memory_space<hbm>> -> memref<25x80xi32, #tpu.memory_space<hbm>>
        tpu.wait_dma2 semaphore(%run_scoped3A : memref<!tpu.dma_semaphore, #tpu.memory_space<semaphore_mem>>) src(%dma_wait3A_101 : memref<25x80xi32, #tpu.memory_space<hbm>>) dst(%arg8 : memref<25x80xi32, #tpu.memory_space<vmem>>)
        tpu.yield
      }) : () -> ()
      %mul3A_84 = arith.constant 10000 : i32
      %mul3A_85 = arith.muli %add3A, %mul3A_84 : i32
      %mul3A_86 = arith.constant 2000 : i32
      %mul3A_87 = arith.muli %scan3A_78, %mul3A_86 : i32
      %add3A_88 = arith.addi %mul3A_85, %mul3A_87 : i32
      "tpu.region"() ({
        %run_scoped3A = tpu.sem_alloc : memref<!tpu.dma_semaphore, #tpu.memory_space<semaphore_mem>>
        %dma_start3A_95 = arith.constant 0 : i32
        %dma_start3A_96 = tpu.memref_slice %arg9[%dma_start3A_95] : memref<2016xf32, #tpu.memory_space<vmem>> -> memref<2000xf32, #tpu.memory_space<vmem>>
        %dma_start3A_97 = tpu.memref_slice %arg5[%add3A_88] : memref<320000xf32, #tpu.memory_space<hbm>> -> memref<2000xf32, #tpu.memory_space<hbm>>
        %dma_start3A_98 = arith.constant 0 : i32
        %dma_start3A_99 = tpu.memref_slice %arg9[%dma_start3A_98] : memref<2016xf32, #tpu.memory_space<vmem>> -> memref<2000xf32, #tpu.memory_space<vmem>>
        %dma_start3A_100 = tpu.memref_slice %arg5[%add3A_88] : memref<320000xf32, #tpu.memory_space<hbm>> -> memref<2000xf32, #tpu.memory_space<hbm>>
        tpu.enqueue_dma source(%dma_start3A_100 : memref<2000xf32, #tpu.memory_space<hbm>>) target(%dma_start3A_99 : memref<2000xf32, #tpu.memory_space<vmem>>) target_semaphore(%run_scoped3A : memref<!tpu.dma_semaphore, #tpu.memory_space<semaphore_mem>>)
        %dma_wait3A = arith.constant 0 : i32
        %dma_wait3A_101 = tpu.memref_slice %arg9[%dma_wait3A] : memref<2016xf32, #tpu.memory_space<vmem>> -> memref<2000xf32, #tpu.memory_space<vmem>>
        %dma_wait3A_102 = tpu.memref_slice %arg5[%add3A_88] : memref<320000xf32, #tpu.memory_space<hbm>> -> memref<2000xf32, #tpu.memory_space<hbm>>
        %dma_wait3A_103 = arith.constant 0 : i32
        %dma_wait3A_104 = tpu.memref_slice %arg9[%dma_wait3A_103] : memref<2016xf32, #tpu.memory_space<vmem>> -> memref<2000xf32, #tpu.memory_space<vmem>>
        %dma_wait3A_105 = tpu.memref_slice %arg5[%add3A_88] : memref<320000xf32, #tpu.memory_space<hbm>> -> memref<2000xf32, #tpu.memory_space<hbm>>
        tpu.wait_dma2 semaphore(%run_scoped3A : memref<!tpu.dma_semaphore, #tpu.memory_space<semaphore_mem>>) src(%dma_wait3A_105 : memref<2000xf32, #tpu.memory_space<hbm>>) dst(%dma_wait3A_104 : memref<2000xf32, #tpu.memory_space<vmem>>)
        tpu.yield
      }) : () -> ()
      %scan3A_89 = arith.constant 0 : i32
      %scan3A_90 = arith.constant 0 : i32
      %scan3A_91 = arith.constant 25 : i32
      %scan3A_92 = arith.addi %scan3A_90, %scan3A_91 : i32
      %scan3A_93 = arith.constant 1 : i32
      scf.for %scan3A_95 = %scan3A_90 to %scan3A_92 step %scan3A_93  : i32 {
        %mul3A_96 = arith.constant 25 : i32
        %mul3A_97 = arith.muli %scan3A_78, %mul3A_96 : i32
        %add3A_98 = arith.addi %mul3A_97, %scan3A_95 : i32
        %rem3A = arith.constant 2 : i32
        %rem3A_99 = arith.remsi %add3A_98, %rem3A : i32
        %eq3A_100 = arith.constant 0 : i32
        %eq3A_101 = arith.cmpi eq, %rem3A_99, %eq3A_100 : i32
        %convert_element_type3A_102 = arith.extui %eq3A_101 : i1 to i32
        %cond3A_103 = arith.constant 0 : i32
        %cond3A_104 = arith.cmpi ne, %convert_element_type3A_102, %cond3A_103 : i32
        scf.if %cond3A_104 {
          %add3A_110 = arith.constant 1 : i32
          %add3A_111 = arith.addi %add3A_98, %add3A_110 : i32
          %lt3A_112 = arith.constant 125 : i32
          %lt3A_113 = arith.cmpi slt, %add3A_111, %lt3A_112 : i32
          %convert_element_type3A_114 = arith.extui %lt3A_113 : i1 to i32
          %cond3A_115 = arith.constant 0 : i32
          %cond3A_116 = arith.cmpi ne, %convert_element_type3A_114, %cond3A_115 : i32
          scf.if %cond3A_116 {
            %add3A_128 = arith.constant 1 : i32
            %add3A_129 = arith.addi %add3A_98, %add3A_128 : i32
            %dma_start3A_130 = arith.constant 0 : i32
            %dma_start3A_131 = tpu.memref_slice %arg7[%add3A_129, %dma_start3A_130] : memref<125x80xi32, #tpu.memory_space<vmem>> -> memref<1x80xi32, #tpu.memory_space<vmem>>
            %dma_start3A_132 = tpu.memref_squeeze %dma_start3A_131 : memref<1x80xi32, #tpu.memory_space<vmem>> -> memref<80xi32, #tpu.memory_space<vmem>>
            %dma_start3A_133 = arith.constant 0 : i32
            %dma_start3A_134 = arith.constant 0 : i32
            %dma_start3A_135 = tpu.memref_slice %arg2[%dma_start3A_133, %dma_start3A_134] : memref<10000x144xf32, #tpu.memory_space<hbm>> -> memref<10000x144xf32, #tpu.memory_space<hbm>>
            tpu.enqueue_indirect_dma source(%dma_start3A_135 : memref<10000x144xf32, #tpu.memory_space<hbm>>) target(%arg11 : memref<80x144xf32, #tpu.memory_space<vmem>>) offsets(%dma_start3A_132 : memref<80xi32, #tpu.memory_space<vmem>>) semaphore(%arg14 : memref<!tpu.dma_semaphore, #tpu.memory_space<semaphore_mem>>)
          } else {
          }
          %dma_wait3A = arith.constant 0 : i32
          %dma_wait3A_117 = tpu.memref_slice %arg7[%add3A_98, %dma_wait3A] : memref<125x80xi32, #tpu.memory_space<vmem>> -> memref<1x80xi32, #tpu.memory_space<vmem>>
          %dma_wait3A_118 = tpu.memref_squeeze %dma_wait3A_117 : memref<1x80xi32, #tpu.memory_space<vmem>> -> memref<80xi32, #tpu.memory_space<vmem>>
          %dma_wait3A_119 = arith.constant 0 : i32
          %dma_wait3A_120 = arith.constant 0 : i32
          %dma_wait3A_121 = tpu.memref_slice %arg2[%dma_wait3A_119, %dma_wait3A_120] : memref<10000x144xf32, #tpu.memory_space<hbm>> -> memref<10000x144xf32, #tpu.memory_space<hbm>>
          tpu.wait_indirect_dma semaphore(%arg13 : memref<!tpu.dma_semaphore, #tpu.memory_space<semaphore_mem>>) src(%dma_wait3A_121 : memref<10000x144xf32, #tpu.memory_space<hbm>>) dst(%arg10 : memref<80x144xf32, #tpu.memory_space<vmem>>)
          %scan3A_122 = arith.constant 0 : i32
          %scan3A_123 = arith.constant 0 : i32
          %scan3A_124 = arith.constant 80 : i32
          %scan3A_125 = arith.addi %scan3A_123, %scan3A_124 : i32
          %scan3A_126 = arith.constant 1 : i32
          scf.for %scan3A_128 = %scan3A_123 to %scan3A_125 step %scan3A_126  : i32 {
            %mul3A_129 = arith.constant 80 : i32
            %mul3A_130 = arith.muli %scan3A_95, %mul3A_129 : i32
            %add3A_131 = arith.addi %mul3A_130, %scan3A_128 : i32
            %get3A = arith.index_cast %add3A_131 : i32 to index
            %get3A_132 = tpu.vector_load %arg9[%get3A] {strides = array<i32>} : memref<2016xf32, #tpu.memory_space<vmem>>, vector<16xf32>,
            %slice3A = vector.extract_strided_slice %get3A_132 {offsets = [0], sizes = [1], strides = [1]} : vector<16xf32> to vector<1xf32>
            %squeeze3A = vector.extract %slice3A[0] : f32 from vector<1xf32>
            %get3A_133 = arith.index_cast %scan3A_128 : i32 to index
            %get3A_134 = arith.constant 0 : index
            %get3A_135 = tpu.vector_load %arg10[%get3A_133, %get3A_134] {strides = array<i32>} : memref<80x144xf32, #tpu.memory_space<vmem>>, vector<16xf32>,
            %mul3A_136 = vector.broadcast %squeeze3A : f32 to vector<16xf32>
            %mul3A_137 = arith.mulf %get3A_135, %mul3A_136 : vector<16xf32>
            %swap3A = arith.index_cast %scan3A_128 : i32 to index
            %swap3A_138 = arith.constant 0 : index
            %swap3A_139 = tpu.vector_load %arg10[%swap3A, %swap3A_138] {strides = array<i32>} : memref<80x144xf32, #tpu.memory_space<vmem>>, vector<16xf32>,
            tpu.vector_store %arg10[%swap3A, %swap3A_138], %mul3A_137 {strides = array<i32>} : memref<80x144xf32, #tpu.memory_space<vmem>>, vector<16xf32>,
            %get3A_140 = arith.index_cast %scan3A_128 : i32 to index
            %get3A_141 = arith.constant 16 : index
            %get3A_142 = tpu.vector_load %arg10[%get3A_140, %get3A_141] {strides = array<i32>} : memref<80x144xf32, #tpu.memory_space<vmem>>, vector<16xf32>,
            %mul3A_143 = vector.broadcast %squeeze3A : f32 to vector<16xf32>
            %mul3A_144 = arith.mulf %get3A_142, %mul3A_143 : vector<16xf32>
            %swap3A_145 = arith.index_cast %scan3A_128 : i32 to index
            %swap3A_146 = arith.constant 16 : index
            %swap3A_147 = tpu.vector_load %arg10[%swap3A_145, %swap3A_146] {strides = array<i32>} : memref<80x144xf32, #tpu.memory_space<vmem>>, vector<16xf32>,
            tpu.vector_store %arg10[%swap3A_145, %swap3A_146], %mul3A_144 {strides = array<i32>} : memref<80x144xf32, #tpu.memory_space<vmem>>, vector<16xf32>,
            %get3A_148 = arith.index_cast %scan3A_128 : i32 to index
            %get3A_149 = arith.constant 32 : index
            %get3A_150 = tpu.vector_load %arg10[%get3A_148, %get3A_149] {strides = array<i32>} : memref<80x144xf32, #tpu.memory_space<vmem>>, vector<16xf32>,
            %mul3A_151 = vector.broadcast %squeeze3A : f32 to vector<16xf32>
            %mul3A_152 = arith.mulf %get3A_150, %mul3A_151 : vector<16xf32>
            %swap3A_153 = arith.index_cast %scan3A_128 : i32 to index
            %swap3A_154 = arith.constant 32 : index
            %swap3A_155 = tpu.vector_load %arg10[%swap3A_153, %swap3A_154] {strides = array<i32>} : memref<80x144xf32, #tpu.memory_space<vmem>>, vector<16xf32>,
            tpu.vector_store %arg10[%swap3A_153, %swap3A_154], %mul3A_152 {strides = array<i32>} : memref<80x144xf32, #tpu.memory_space<vmem>>, vector<16xf32>,
            %get3A_156 = arith.index_cast %scan3A_128 : i32 to index
            %get3A_157 = arith.constant 48 : index
            %get3A_158 = tpu.vector_load %arg10[%get3A_156, %get3A_157] {strides = array<i32>} : memref<80x144xf32, #tpu.memory_space<vmem>>, vector<16xf32>,
            %mul3A_159 = vector.broadcast %squeeze3A : f32 to vector<16xf32>
            %mul3A_160 = arith.mulf %get3A_158, %mul3A_159 : vector<16xf32>
            %swap3A_161 = arith.index_cast %scan3A_128 : i32 to index
            %swap3A_162 = arith.constant 48 : index
            %swap3A_163 = tpu.vector_load %arg10[%swap3A_161, %swap3A_162] {strides = array<i32>} : memref<80x144xf32, #tpu.memory_space<vmem>>, vector<16xf32>,
            tpu.vector_store %arg10[%swap3A_161, %swap3A_162], %mul3A_160 {strides = array<i32>} : memref<80x144xf32, #tpu.memory_space<vmem>>, vector<16xf32>,
            %get3A_164 = arith.index_cast %scan3A_128 : i32 to index
            %get3A_165 = arith.constant 64 : index
            %get3A_166 = tpu.vector_load %arg10[%get3A_164, %get3A_165] {strides = array<i32>} : memref<80x144xf32, #tpu.memory_space<vmem>>, vector<16xf32>,
            %mul3A_167 = vector.broadcast %squeeze3A : f32 to vector<16xf32>
            %mul3A_168 = arith.mulf %get3A_166, %mul3A_167 : vector<16xf32>
            %swap3A_169 = arith.index_cast %scan3A_128 : i32 to index
            %swap3A_170 = arith.constant 64 : index
            %swap3A_171 = tpu.vector_load %arg10[%swap3A_169, %swap3A_170] {strides = array<i32>} : memref<80x144xf32, #tpu.memory_space<vmem>>, vector<16xf32>,
            tpu.vector_store %arg10[%swap3A_169, %swap3A_170], %mul3A_168 {strides = array<i32>} : memref<80x144xf32, #tpu.memory_space<vmem>>, vector<16xf32>,
            %get3A_172 = arith.index_cast %scan3A_128 : i32 to index
            %get3A_173 = arith.constant 80 : index
            %get3A_174 = tpu.vector_load %arg10[%get3A_172, %get3A_173] {strides = array<i32>} : memref<80x144xf32, #tpu.memory_space<vmem>>, vector<16xf32>,
            %mul3A_175 = vector.broadcast %squeeze3A : f32 to vector<16xf32>
            %mul3A_176 = arith.mulf %get3A_174, %mul3A_175 : vector<16xf32>
            %swap3A_177 = arith.index_cast %scan3A_128 : i32 to index
            %swap3A_178 = arith.constant 80 : index
            %swap3A_179 = tpu.vector_load %arg10[%swap3A_177, %swap3A_178] {strides = array<i32>} : memref<80x144xf32, #tpu.memory_space<vmem>>, vector<16xf32>,
            tpu.vector_store %arg10[%swap3A_177, %swap3A_178], %mul3A_176 {strides = array<i32>} : memref<80x144xf32, #tpu.memory_space<vmem>>, vector<16xf32>,
            %get3A_180 = arith.index_cast %scan3A_128 : i32 to index
            %get3A_181 = arith.constant 96 : index
            %get3A_182 = tpu.vector_load %arg10[%get3A_180, %get3A_181] {strides = array<i32>} : memref<80x144xf32, #tpu.memory_space<vmem>>, vector<16xf32>,
            %mul3A_183 = vector.broadcast %squeeze3A : f32 to vector<16xf32>
            %mul3A_184 = arith.mulf %get3A_182, %mul3A_183 : vector<16xf32>
            %swap3A_185 = arith.index_cast %scan3A_128 : i32 to index
            %swap3A_186 = arith.constant 96 : index
            %swap3A_187 = tpu.vector_load %arg10[%swap3A_185, %swap3A_186] {strides = array<i32>} : memref<80x144xf32, #tpu.memory_space<vmem>>, vector<16xf32>,
            tpu.vector_store %arg10[%swap3A_185, %swap3A_186], %mul3A_184 {strides = array<i32>} : memref<80x144xf32, #tpu.memory_space<vmem>>, vector<16xf32>,
            %get3A_188 = arith.index_cast %scan3A_128 : i32 to index
            %get3A_189 = arith.constant 112 : index
            %get3A_190 = tpu.vector_load %arg10[%get3A_188, %get3A_189] {strides = array<i32>} : memref<80x144xf32, #tpu.memory_space<vmem>>, vector<16xf32>,
            %mul3A_191 = vector.broadcast %squeeze3A : f32 to vector<16xf32>
            %mul3A_192 = arith.mulf %get3A_190, %mul3A_191 : vector<16xf32>
            %swap3A_193 = arith.index_cast %scan3A_128 : i32 to index
            %swap3A_194 = arith.constant 112 : index
            %swap3A_195 = tpu.vector_load %arg10[%swap3A_193, %swap3A_194] {strides = array<i32>} : memref<80x144xf32, #tpu.memory_space<vmem>>, vector<16xf32>,
            tpu.vector_store %arg10[%swap3A_193, %swap3A_194], %mul3A_192 {strides = array<i32>} : memref<80x144xf32, #tpu.memory_space<vmem>>, vector<16xf32>,
            %get3A_196 = arith.index_cast %scan3A_128 : i32 to index
            %get3A_197 = arith.constant 128 : index
            %get3A_198 = tpu.vector_load %arg10[%get3A_196, %get3A_197] {strides = array<i32>} : memref<80x144xf32, #tpu.memory_space<vmem>>, vector<16xf32>,
            %mul3A_199 = vector.broadcast %squeeze3A : f32 to vector<16xf32>
            %mul3A_200 = arith.mulf %get3A_198, %mul3A_199 : vector<16xf32>
            %swap3A_201 = arith.index_cast %scan3A_128 : i32 to index
            %swap3A_202 = arith.constant 128 : index
            %swap3A_203 = tpu.vector_load %arg10[%swap3A_201, %swap3A_202] {strides = array<i32>} : memref<80x144xf32, #tpu.memory_space<vmem>>, vector<16xf32>,
            tpu.vector_store %arg10[%swap3A_201, %swap3A_202], %mul3A_200 {strides = array<i32>} : memref<80x144xf32, #tpu.memory_space<vmem>>, vector<16xf32>,
          }
          %scan3A_127 = arith.constant 80 : i32
          "tpu.region"() ({
            %run_scoped3A = tpu.sem_alloc : memref<!tpu.dma_semaphore, #tpu.memory_space<semaphore_mem>>
            %dma_start3A_128 = arith.constant 0 : i32
            %dma_start3A_129 = tpu.memref_slice %arg8[%scan3A_95, %dma_start3A_128] : memref<25x80xi32, #tpu.memory_space<vmem>> -> memref<1x80xi32, #tpu.memory_space<vmem>>
            %dma_start3A_130 = tpu.memref_squeeze %dma_start3A_129 : memref<1x80xi32, #tpu.memory_space<vmem>> -> memref<80xi32, #tpu.memory_space<vmem>>
            %dma_start3A_131 = arith.constant 0 : i32
            %dma_start3A_132 = arith.constant 0 : i32
            %dma_start3A_133 = tpu.memref_slice %arg12[%dma_start3A_131, %dma_start3A_132] : memref<10000x144xf32, #tpu.memory_space<vmem_shared>> -> memref<10000x144xf32, #tpu.memory_space<vmem_shared>>
            tpu.enqueue_indirect_dma source(%arg10 : memref<80x144xf32, #tpu.memory_space<vmem>>) target(%dma_start3A_133 : memref<10000x144xf32, #tpu.memory_space<vmem_shared>>) offsets(%dma_start3A_130 : memref<80xi32, #tpu.memory_space<vmem>>) semaphore(%run_scoped3A : memref<!tpu.dma_semaphore, #tpu.memory_space<semaphore_mem>>) {add = true}
            %dma_wait3A_134 = arith.constant 0 : i32
            %dma_wait3A_135 = tpu.memref_slice %arg8[%scan3A_95, %dma_wait3A_134] : memref<25x80xi32, #tpu.memory_space<vmem>> -> memref<1x80xi32, #tpu.memory_space<vmem>>
            %dma_wait3A_136 = tpu.memref_squeeze %dma_wait3A_135 : memref<1x80xi32, #tpu.memory_space<vmem>> -> memref<80xi32, #tpu.memory_space<vmem>>
            %dma_wait3A_137 = arith.constant 0 : i32
            %dma_wait3A_138 = arith.constant 0 : i32
            %dma_wait3A_139 = tpu.memref_slice %arg12[%dma_wait3A_137, %dma_wait3A_138] : memref<10000x144xf32, #tpu.memory_space<vmem_shared>> -> memref<10000x144xf32, #tpu.memory_space<vmem_shared>>
            tpu.wait_indirect_dma semaphore(%run_scoped3A : memref<!tpu.dma_semaphore, #tpu.memory_space<semaphore_mem>>) src(%arg10 : memref<80x144xf32, #tpu.memory_space<vmem>>) dst(%dma_wait3A_139 : memref<10000x144xf32, #tpu.memory_space<vmem_shared>>)
            tpu.yield
          }) : () -> ()
        } else {
        }
        %eq3A_105 = arith.constant 1 : i32
        %eq3A_106 = arith.cmpi eq, %rem3A_99, %eq3A_105 : i32
        %convert_element_type3A_107 = arith.extui %eq3A_106 : i1 to i32
        %cond3A_108 = arith.constant 0 : i32
        %cond3A_109 = arith.cmpi ne, %convert_element_type3A_107, %cond3A_108 : i32
        scf.if %cond3A_109 {
          %add3A_110 = arith.constant 1 : i32
          %add3A_111 = arith.addi %add3A_98, %add3A_110 : i32
          %lt3A_112 = arith.constant 125 : i32
          %lt3A_113 = arith.cmpi slt, %add3A_111, %lt3A_112 : i32
          %convert_element_type3A_114 = arith.extui %lt3A_113 : i1 to i32
          %cond3A_115 = arith.constant 0 : i32
          %cond3A_116 = arith.cmpi ne, %convert_element_type3A_114, %cond3A_115 : i32
          scf.if %cond3A_116 {
            %add3A_128 = arith.constant 1 : i32
            %add3A_129 = arith.addi %add3A_98, %add3A_128 : i32
            %dma_start3A_130 = arith.constant 0 : i32
            %dma_start3A_131 = tpu.memref_slice %arg7[%add3A_129, %dma_start3A_130] : memref<125x80xi32, #tpu.memory_space<vmem>> -> memref<1x80xi32, #tpu.memory_space<vmem>>
            %dma_start3A_132 = tpu.memref_squeeze %dma_start3A_131 : memref<1x80xi32, #tpu.memory_space<vmem>> -> memref<80xi32, #tpu.memory_space<vmem>>
            %dma_start3A_133 = arith.constant 0 : i32
            %dma_start3A_134 = arith.constant 0 : i32
            %dma_start3A_135 = tpu.memref_slice %arg2[%dma_start3A_133, %dma_start3A_134] : memref<10000x144xf32, #tpu.memory_space<hbm>> -> memref<10000x144xf32, #tpu.memory_space<hbm>>
            tpu.enqueue_indirect_dma source(%dma_start3A_135 : memref<10000x144xf32, #tpu.memory_space<hbm>>) target(%arg10 : memref<80x144xf32, #tpu.memory_space<vmem>>) offsets(%dma_start3A_132 : memref<80xi32, #tpu.memory_space<vmem>>) semaphore(%arg13 : memref<!tpu.dma_semaphore, #tpu.memory_space<semaphore_mem>>)
          } else {
          }
          %dma_wait3A = arith.constant 0 : i32
          %dma_wait3A_117 = tpu.memref_slice %arg7[%add3A_98, %dma_wait3A] : memref<125x80xi32, #tpu.memory_space<vmem>> -> memref<1x80xi32, #tpu.memory_space<vmem>>
          %dma_wait3A_118 = tpu.memref_squeeze %dma_wait3A_117 : memref<1x80xi32, #tpu.memory_space<vmem>> -> memref<80xi32, #tpu.memory_space<vmem>>
          %dma_wait3A_119 = arith.constant 0 : i32
          %dma_wait3A_120 = arith.constant 0 : i32
          %dma_wait3A_121 = tpu.memref_slice %arg2[%dma_wait3A_119, %dma_wait3A_120] : memref<10000x144xf32, #tpu.memory_space<hbm>> -> memref<10000x144xf32, #tpu.memory_space<hbm>>
          tpu.wait_indirect_dma semaphore(%arg14 : memref<!tpu.dma_semaphore, #tpu.memory_space<semaphore_mem>>) src(%dma_wait3A_121 : memref<10000x144xf32, #tpu.memory_space<hbm>>) dst(%arg11 : memref<80x144xf32, #tpu.memory_space<vmem>>)
          %scan3A_122 = arith.constant 0 : i32
          %scan3A_123 = arith.constant 0 : i32
          %scan3A_124 = arith.constant 80 : i32
          %scan3A_125 = arith.addi %scan3A_123, %scan3A_124 : i32
          %scan3A_126 = arith.constant 1 : i32
          scf.for %scan3A_128 = %scan3A_123 to %scan3A_125 step %scan3A_126  : i32 {
            %mul3A_129 = arith.constant 80 : i32
            %mul3A_130 = arith.muli %scan3A_95, %mul3A_129 : i32
            %add3A_131 = arith.addi %mul3A_130, %scan3A_128 : i32
            %get3A = arith.index_cast %add3A_131 : i32 to index
            %get3A_132 = tpu.vector_load %arg9[%get3A] {strides = array<i32>} : memref<2016xf32, #tpu.memory_space<vmem>>, vector<16xf32>,
            %slice3A = vector.extract_strided_slice %get3A_132 {offsets = [0], sizes = [1], strides = [1]} : vector<16xf32> to vector<1xf32>
            %squeeze3A = vector.extract %slice3A[0] : f32 from vector<1xf32>
            %get3A_133 = arith.index_cast %scan3A_128 : i32 to index
            %get3A_134 = arith.constant 0 : index
            %get3A_135 = tpu.vector_load %arg11[%get3A_133, %get3A_134] {strides = array<i32>} : memref<80x144xf32, #tpu.memory_space<vmem>>, vector<16xf32>,
            %mul3A_136 = vector.broadcast %squeeze3A : f32 to vector<16xf32>
            %mul3A_137 = arith.mulf %get3A_135, %mul3A_136 : vector<16xf32>
            %swap3A = arith.index_cast %scan3A_128 : i32 to index
            %swap3A_138 = arith.constant 0 : index
            %swap3A_139 = tpu.vector_load %arg11[%swap3A, %swap3A_138] {strides = array<i32>} : memref<80x144xf32, #tpu.memory_space<vmem>>, vector<16xf32>,
            tpu.vector_store %arg11[%swap3A, %swap3A_138], %mul3A_137 {strides = array<i32>} : memref<80x144xf32, #tpu.memory_space<vmem>>, vector<16xf32>,
            %get3A_140 = arith.index_cast %scan3A_128 : i32 to index
            %get3A_141 = arith.constant 16 : index
            %get3A_142 = tpu.vector_load %arg11[%get3A_140, %get3A_141] {strides = array<i32>} : memref<80x144xf32, #tpu.memory_space<vmem>>, vector<16xf32>,
            %mul3A_143 = vector.broadcast %squeeze3A : f32 to vector<16xf32>
            %mul3A_144 = arith.mulf %get3A_142, %mul3A_143 : vector<16xf32>
            %swap3A_145 = arith.index_cast %scan3A_128 : i32 to index
            %swap3A_146 = arith.constant 16 : index
            %swap3A_147 = tpu.vector_load %arg11[%swap3A_145, %swap3A_146] {strides = array<i32>} : memref<80x144xf32, #tpu.memory_space<vmem>>, vector<16xf32>,
            tpu.vector_store %arg11[%swap3A_145, %swap3A_146], %mul3A_144 {strides = array<i32>} : memref<80x144xf32, #tpu.memory_space<vmem>>, vector<16xf32>,
            %get3A_148 = arith.index_cast %scan3A_128 : i32 to index
            %get3A_149 = arith.constant 32 : index
            %get3A_150 = tpu.vector_load %arg11[%get3A_148, %get3A_149] {strides = array<i32>} : memref<80x144xf32, #tpu.memory_space<vmem>>, vector<16xf32>,
            %mul3A_151 = vector.broadcast %squeeze3A : f32 to vector<16xf32>
            %mul3A_152 = arith.mulf %get3A_150, %mul3A_151 : vector<16xf32>
            %swap3A_153 = arith.index_cast %scan3A_128 : i32 to index
            %swap3A_154 = arith.constant 32 : index
            %swap3A_155 = tpu.vector_load %arg11[%swap3A_153, %swap3A_154] {strides = array<i32>} : memref<80x144xf32, #tpu.memory_space<vmem>>, vector<16xf32>,
            tpu.vector_store %arg11[%swap3A_153, %swap3A_154], %mul3A_152 {strides = array<i32>} : memref<80x144xf32, #tpu.memory_space<vmem>>, vector<16xf32>,
            %get3A_156 = arith.index_cast %scan3A_128 : i32 to index
            %get3A_157 = arith.constant 48 : index
            %get3A_158 = tpu.vector_load %arg11[%get3A_156, %get3A_157] {strides = array<i32>} : memref<80x144xf32, #tpu.memory_space<vmem>>, vector<16xf32>,
            %mul3A_159 = vector.broadcast %squeeze3A : f32 to vector<16xf32>
            %mul3A_160 = arith.mulf %get3A_158, %mul3A_159 : vector<16xf32>
            %swap3A_161 = arith.index_cast %scan3A_128 : i32 to index
            %swap3A_162 = arith.constant 48 : index
            %swap3A_163 = tpu.vector_load %arg11[%swap3A_161, %swap3A_162] {strides = array<i32>} : memref<80x144xf32, #tpu.memory_space<vmem>>, vector<16xf32>,
            tpu.vector_store %arg11[%swap3A_161, %swap3A_162], %mul3A_160 {strides = array<i32>} : memref<80x144xf32, #tpu.memory_space<vmem>>, vector<16xf32>,
            %get3A_164 = arith.index_cast %scan3A_128 : i32 to index
            %get3A_165 = arith.constant 64 : index
            %get3A_166 = tpu.vector_load %arg11[%get3A_164, %get3A_165] {strides = array<i32>} : memref<80x144xf32, #tpu.memory_space<vmem>>, vector<16xf32>,
            %mul3A_167 = vector.broadcast %squeeze3A : f32 to vector<16xf32>
            %mul3A_168 = arith.mulf %get3A_166, %mul3A_167 : vector<16xf32>
            %swap3A_169 = arith.index_cast %scan3A_128 : i32 to index
            %swap3A_170 = arith.constant 64 : index
            %swap3A_171 = tpu.vector_load %arg11[%swap3A_169, %swap3A_170] {strides = array<i32>} : memref<80x144xf32, #tpu.memory_space<vmem>>, vector<16xf32>,
            tpu.vector_store %arg11[%swap3A_169, %swap3A_170], %mul3A_168 {strides = array<i32>} : memref<80x144xf32, #tpu.memory_space<vmem>>, vector<16xf32>,
            %get3A_172 = arith.index_cast %scan3A_128 : i32 to index
            %get3A_173 = arith.constant 80 : index
            %get3A_174 = tpu.vector_load %arg11[%get3A_172, %get3A_173] {strides = array<i32>} : memref<80x144xf32, #tpu.memory_space<vmem>>, vector<16xf32>,
            %mul3A_175 = vector.broadcast %squeeze3A : f32 to vector<16xf32>
            %mul3A_176 = arith.mulf %get3A_174, %mul3A_175 : vector<16xf32>
            %swap3A_177 = arith.index_cast %scan3A_128 : i32 to index
            %swap3A_178 = arith.constant 80 : index
            %swap3A_179 = tpu.vector_load %arg11[%swap3A_177, %swap3A_178] {strides = array<i32>} : memref<80x144xf32, #tpu.memory_space<vmem>>, vector<16xf32>,
            tpu.vector_store %arg11[%swap3A_177, %swap3A_178], %mul3A_176 {strides = array<i32>} : memref<80x144xf32, #tpu.memory_space<vmem>>, vector<16xf32>,
            %get3A_180 = arith.index_cast %scan3A_128 : i32 to index
            %get3A_181 = arith.constant 96 : index
            %get3A_182 = tpu.vector_load %arg11[%get3A_180, %get3A_181] {strides = array<i32>} : memref<80x144xf32, #tpu.memory_space<vmem>>, vector<16xf32>,
            %mul3A_183 = vector.broadcast %squeeze3A : f32 to vector<16xf32>
            %mul3A_184 = arith.mulf %get3A_182, %mul3A_183 : vector<16xf32>
            %swap3A_185 = arith.index_cast %scan3A_128 : i32 to index
            %swap3A_186 = arith.constant 96 : index
            %swap3A_187 = tpu.vector_load %arg11[%swap3A_185, %swap3A_186] {strides = array<i32>} : memref<80x144xf32, #tpu.memory_space<vmem>>, vector<16xf32>,
            tpu.vector_store %arg11[%swap3A_185, %swap3A_186], %mul3A_184 {strides = array<i32>} : memref<80x144xf32, #tpu.memory_space<vmem>>, vector<16xf32>,
            %get3A_188 = arith.index_cast %scan3A_128 : i32 to index
            %get3A_189 = arith.constant 112 : index
            %get3A_190 = tpu.vector_load %arg11[%get3A_188, %get3A_189] {strides = array<i32>} : memref<80x144xf32, #tpu.memory_space<vmem>>, vector<16xf32>,
            %mul3A_191 = vector.broadcast %squeeze3A : f32 to vector<16xf32>
            %mul3A_192 = arith.mulf %get3A_190, %mul3A_191 : vector<16xf32>
            %swap3A_193 = arith.index_cast %scan3A_128 : i32 to index
            %swap3A_194 = arith.constant 112 : index
            %swap3A_195 = tpu.vector_load %arg11[%swap3A_193, %swap3A_194] {strides = array<i32>} : memref<80x144xf32, #tpu.memory_space<vmem>>, vector<16xf32>,
            tpu.vector_store %arg11[%swap3A_193, %swap3A_194], %mul3A_192 {strides = array<i32>} : memref<80x144xf32, #tpu.memory_space<vmem>>, vector<16xf32>,
            %get3A_196 = arith.index_cast %scan3A_128 : i32 to index
            %get3A_197 = arith.constant 128 : index
            %get3A_198 = tpu.vector_load %arg11[%get3A_196, %get3A_197] {strides = array<i32>} : memref<80x144xf32, #tpu.memory_space<vmem>>, vector<16xf32>,
            %mul3A_199 = vector.broadcast %squeeze3A : f32 to vector<16xf32>
            %mul3A_200 = arith.mulf %get3A_198, %mul3A_199 : vector<16xf32>
            %swap3A_201 = arith.index_cast %scan3A_128 : i32 to index
            %swap3A_202 = arith.constant 128 : index
            %swap3A_203 = tpu.vector_load %arg11[%swap3A_201, %swap3A_202] {strides = array<i32>} : memref<80x144xf32, #tpu.memory_space<vmem>>, vector<16xf32>,
            tpu.vector_store %arg11[%swap3A_201, %swap3A_202], %mul3A_200 {strides = array<i32>} : memref<80x144xf32, #tpu.memory_space<vmem>>, vector<16xf32>,
          }
          %scan3A_127 = arith.constant 80 : i32
          "tpu.region"() ({
            %run_scoped3A = tpu.sem_alloc : memref<!tpu.dma_semaphore, #tpu.memory_space<semaphore_mem>>
            %dma_start3A_128 = arith.constant 0 : i32
            %dma_start3A_129 = tpu.memref_slice %arg8[%scan3A_95, %dma_start3A_128] : memref<25x80xi32, #tpu.memory_space<vmem>> -> memref<1x80xi32, #tpu.memory_space<vmem>>
            %dma_start3A_130 = tpu.memref_squeeze %dma_start3A_129 : memref<1x80xi32, #tpu.memory_space<vmem>> -> memref<80xi32, #tpu.memory_space<vmem>>
            %dma_start3A_131 = arith.constant 0 : i32
            %dma_start3A_132 = arith.constant 0 : i32
            %dma_start3A_133 = tpu.memref_slice %arg12[%dma_start3A_131, %dma_start3A_132] : memref<10000x144xf32, #tpu.memory_space<vmem_shared>> -> memref<10000x144xf32, #tpu.memory_space<vmem_shared>>
            tpu.enqueue_indirect_dma source(%arg11 : memref<80x144xf32, #tpu.memory_space<vmem>>) target(%dma_start3A_133 : memref<10000x144xf32, #tpu.memory_space<vmem_shared>>) offsets(%dma_start3A_130 : memref<80xi32, #tpu.memory_space<vmem>>) semaphore(%run_scoped3A : memref<!tpu.dma_semaphore, #tpu.memory_space<semaphore_mem>>) {add = true}
            %dma_wait3A_134 = arith.constant 0 : i32
            %dma_wait3A_135 = tpu.memref_slice %arg8[%scan3A_95, %dma_wait3A_134] : memref<25x80xi32, #tpu.memory_space<vmem>> -> memref<1x80xi32, #tpu.memory_space<vmem>>
            %dma_wait3A_136 = tpu.memref_squeeze %dma_wait3A_135 : memref<1x80xi32, #tpu.memory_space<vmem>> -> memref<80xi32, #tpu.memory_space<vmem>>
            %dma_wait3A_137 = arith.constant 0 : i32
            %dma_wait3A_138 = arith.constant 0 : i32
            %dma_wait3A_139 = tpu.memref_slice %arg12[%dma_wait3A_137, %dma_wait3A_138] : memref<10000x144xf32, #tpu.memory_space<vmem_shared>> -> memref<10000x144xf32, #tpu.memory_space<vmem_shared>>
            tpu.wait_indirect_dma semaphore(%run_scoped3A : memref<!tpu.dma_semaphore, #tpu.memory_space<semaphore_mem>>) src(%arg11 : memref<80x144xf32, #tpu.memory_space<vmem>>) dst(%dma_wait3A_139 : memref<10000x144xf32, #tpu.memory_space<vmem_shared>>)
            tpu.yield
          }) : () -> ()
        } else {
        }
      }
      %scan3A_94 = arith.constant 25 : i32
    }
    %scan3A_72 = arith.constant 5 : i32
    %barrier3A_73 = arith.constant 0 : index
    tpu.barrier barrier_id(%barrier3A_73)
    %eq3A = arith.constant 0 : i32
    %eq3A_74 = arith.cmpi eq, %arg1, %eq3A : i32
    %convert_element_type3A_75 = arith.extui %eq3A_74 : i1 to i32
    %cond3A_76 = arith.constant 0 : i32
    %cond3A_77 = arith.cmpi ne, %convert_element_type3A_75, %cond3A_76 : i32
    scf.if %cond3A_77 {
      "tpu.region"() ({
        %run_scoped3A = tpu.sem_alloc : memref<!tpu.dma_semaphore, #tpu.memory_space<semaphore_mem>>
        %dma_start3A_78 = arith.constant 0 : i32
        %dma_start3A_79 = arith.constant 0 : i32
        %dma_start3A_80 = tpu.memref_slice %arg6[%arg0, %dma_start3A_78, %dma_start3A_79] : memref<2x10000x144xf32, #tpu.memory_space<hbm>> -> memref<1x10000x144xf32, #tpu.memory_space<hbm>>
        %dma_start3A_81 = tpu.memref_squeeze %dma_start3A_80 : memref<1x10000x144xf32, #tpu.memory_space<hbm>> -> memref<10000x144xf32, #tpu.memory_space<hbm>>
        tpu.enqueue_dma source(%arg12 : memref<10000x144xf32, #tpu.memory_space<vmem_shared>>) target(%dma_start3A_81 : memref<10000x144xf32, #tpu.memory_space<hbm>>) target_semaphore(%run_scoped3A : memref<!tpu.dma_semaphore, #tpu.memory_space<semaphore_mem>>)
        %dma_wait3A = arith.constant 0 : i32
        %dma_wait3A_82 = arith.constant 0 : i32
        %dma_wait3A_83 = tpu.memref_slice %arg6[%arg0, %dma_wait3A, %dma_wait3A_82] : memref<2x10000x144xf32, #tpu.memory_space<hbm>> -> memref<1x10000x144xf32, #tpu.memory_space<hbm>>
        %dma_wait3A_84 = tpu.memref_squeeze %dma_wait3A_83 : memref<1x10000x144xf32, #tpu.memory_space<hbm>> -> memref<10000x144xf32, #tpu.memory_space<hbm>>
        tpu.wait_dma2 semaphore(%run_scoped3A : memref<!tpu.dma_semaphore, #tpu.memory_space<semaphore_mem>>) src(%arg12 : memref<10000x144xf32, #tpu.memory_space<vmem_shared>>) dst(%dma_wait3A_84 : memref<10000x144xf32, #tpu.memory_space<hbm>>)
        tpu.yield
      }) : () -> ()
    } else {
    }
    return
  }
}

module attributes {stable_mosaic.version = 14 : i64} {
  func.func @_prep_body(%arg0: i32, %arg1: memref<1000x128xf32, #tpu.memory_space<vmem>>, %arg2: memref<128x128xf32, #tpu.memory_space<vmem>>, %arg3: memref<2x128xf32, #tpu.memory_space<vmem>>, %arg4: memref<1000x144xf32, #tpu.memory_space<vmem>>, %arg5: memref<1000x2xf32, #tpu.memory_space<vmem>>, %arg6: memref<8x128xf32, #tpu.memory_space<vmem>>) attributes {dimension_semantics = [#tpu.dimension_semantics<arbitrary>], iteration_bounds = array<i64: 10>, scalar_prefetch = 0 : i64, scratch_operands = 0 : i64, tpu.core_type = #tpu.core_type<tc>, window_params = [{transform_indices = @transform_0, window_bounds = array<i64: 1000, 128>}, {pipeline_mode = #tpu.pipeline_mode<synchronous>, transform_indices = @transform_1, window_bounds = array<i64: 128, 128>}, {pipeline_mode = #tpu.pipeline_mode<synchronous>, transform_indices = @transform_2, window_bounds = array<i64: 2, 128>}, {transform_indices = @transform_3, window_bounds = array<i64: 1000, 144>}, {transform_indices = @transform_4, window_bounds = array<i64: 1000, 2>}, {pipeline_mode = #tpu.pipeline_mode<synchronous>, transform_indices = @transform_5, window_bounds = array<i64: 8, 128>}]} {
    %get3A = arith.constant 0 : index
    %get3A_0 = arith.constant 0 : index
    %get3A_1 = vector.load %arg1[%get3A, %get3A_0] : memref<1000x128xf32, #tpu.memory_space<vmem>>, vector<1000x128xf32>
    %get3A_2 = arith.constant 0 : index
    %get3A_3 = arith.constant 0 : index
    %get3A_4 = vector.load %arg2[%get3A_2, %get3A_3] : memref<128x128xf32, #tpu.memory_space<vmem>>, vector<128x128xf32>
    %dot_general3A = arith.constant dense<0.000000e+00> : vector<1000x128xf32>
    %dot_general3A_5 = tpu.matmul %get3A_1, %get3A_4, %dot_general3A {dimension_numbers = #tpu.dot_dimension_numbers<[1], [0], [0], [1], [0, 0, 1, 1], [], []>, transpose_lhs_hint = false} : vector<1000x128xf32>, vector<128x128xf32>, vector<1000x128xf32> -> vector<1000x128xf32>
    %swap3A = arith.constant 0 : index
    %swap3A_6 = arith.constant 0 : index
    %swap3A_7 = vector.load %arg4[%swap3A, %swap3A_6] : memref<1000x144xf32, #tpu.memory_space<vmem>>, vector<1000x128xf32>
    tpu.vector_store %arg4[%swap3A, %swap3A_6], %dot_general3A_5 {strides = array<i32>} : memref<1000x144xf32, #tpu.memory_space<vmem>>, vector<1000x128xf32>,
    %iota3A = tpu.iota {dimensions = array<i32: 1>} : vector<1000x16xi32>
    %eq3A = arith.constant 0 : i32
    %eq3A_8 = vector.broadcast %eq3A : i32 to vector<1000x16xi32>
    %eq3A_9 = arith.cmpi eq, %iota3A, %eq3A_8 : vector<1000x16xi32>
    %jit3A = arith.constant 1.000000e+00 : f32
    %jit3A_10 = arith.constant 0.000000e+00 : f32
    %broadcast_in_dim3A = vector.broadcast %jit3A : f32 to vector<1000x16xf32>
    %broadcast_in_dim3A_11 = vector.broadcast %jit3A_10 : f32 to vector<1000x16xf32>
    %select_n3A = arith.select %eq3A_9, %broadcast_in_dim3A, %broadcast_in_dim3A_11 : vector<1000x16xi1>, vector<1000x16xf32>
    %swap3A_12 = arith.constant 0 : index
    %swap3A_13 = arith.constant 128 : index
    %swap3A_14 = vector.load %arg4[%swap3A_12, %swap3A_13] : memref<1000x144xf32, #tpu.memory_space<vmem>>, vector<1000x16xf32>
    tpu.vector_store %arg4[%swap3A_12, %swap3A_13], %select_n3A {strides = array<i32>} : memref<1000x144xf32, #tpu.memory_space<vmem>>, vector<1000x16xf32>,
    %get3A_15 = arith.constant 0 : index
    %get3A_16 = arith.constant 0 : index
    %get3A_17 = vector.load %arg3[%get3A_15, %get3A_16] : memref<2x128xf32, #tpu.memory_space<vmem>>, vector<1x128xf32>
    %mul3A = vector.broadcast %get3A_17 : vector<1x128xf32> to vector<1000x128xf32>
    %mul3A_18 = arith.mulf %dot_general3A_5, %mul3A : vector<1000x128xf32>
    %reduce_sum3A = arith.constant dense<0.000000e+00> : vector<1000xf32>
    %reduce_sum3A_19 = vector.multi_reduction <add>, %mul3A_18, %reduce_sum3A [1] : vector<1000x128xf32> to vector<1000xf32>
    %broadcast_in_dim3A_20 = vector.shape_cast %reduce_sum3A_19 : vector<1000xf32> to vector<1000x1xf32>
    %get3A_21 = arith.constant 1 : index
    %get3A_22 = arith.constant 0 : index
    %get3A_23 = vector.load %arg3[%get3A_21, %get3A_22] : memref<2x128xf32, #tpu.memory_space<vmem>>, vector<1x128xf32>
    %mul3A_24 = vector.broadcast %get3A_23 : vector<1x128xf32> to vector<1000x128xf32>
    %mul3A_25 = arith.mulf %dot_general3A_5, %mul3A_24 : vector<1000x128xf32>
    %reduce_sum3A_26 = arith.constant dense<0.000000e+00> : vector<1000xf32>
    %reduce_sum3A_27 = vector.multi_reduction <add>, %mul3A_25, %reduce_sum3A_26 [1] : vector<1000x128xf32> to vector<1000xf32>
    %broadcast_in_dim3A_28 = vector.shape_cast %reduce_sum3A_27 : vector<1000xf32> to vector<1000x1xf32>
    %swap3A_29 = arith.constant 0 : index
    %swap3A_30 = arith.constant 0 : index
    %swap3A_31 = vector.load %arg5[%swap3A_29, %swap3A_30] : memref<1000x2xf32, #tpu.memory_space<vmem>>, vector<1000x1xf32>
    tpu.vector_store %arg5[%swap3A_29, %swap3A_30], %broadcast_in_dim3A_20 {strides = array<i32>} : memref<1000x2xf32, #tpu.memory_space<vmem>>, vector<1000x1xf32>,
    %swap3A_32 = arith.constant 0 : index
    %swap3A_33 = arith.constant 1 : index
    %swap3A_34 = vector.load %arg5[%swap3A_32, %swap3A_33] : memref<1000x2xf32, #tpu.memory_space<vmem>>, vector<1000x1xf32>
    tpu.vector_store %arg5[%swap3A_32, %swap3A_33], %broadcast_in_dim3A_28 {strides = array<i32>} : memref<1000x2xf32, #tpu.memory_space<vmem>>, vector<1000x1xf32>,
    %reduce_max3A = vector.shape_cast %broadcast_in_dim3A_20 : vector<1000x1xf32> to vector<1x1000x1xf32>
    %reduce_max3A_35 = arith.constant dense<0xFF800000> : vector<1xf32>
    %reduce_max3A_36 = vector.multi_reduction <maximumf>, %reduce_max3A, %reduce_max3A_35 [1, 2] : vector<1x1000x1xf32> to vector<1xf32>
    %reduce_max3A_37 = vector.shape_cast %reduce_max3A_36 : vector<1xf32> to vector<1x1x1xf32>
    %reduce_max3A_38 = vector.extract %reduce_max3A_37[0, 0, 0] : f32 from vector<1x1x1xf32>
    %broadcast_in_dim3A_39 = vector.broadcast %reduce_max3A_38 : f32 to vector<4x128xf32>
    %reduce_max3A_40 = vector.shape_cast %broadcast_in_dim3A_28 : vector<1000x1xf32> to vector<1x1000x1xf32>
    %reduce_max3A_41 = arith.constant dense<0xFF800000> : vector<1xf32>
    %reduce_max3A_42 = vector.multi_reduction <maximumf>, %reduce_max3A_40, %reduce_max3A_41 [1, 2] : vector<1x1000x1xf32> to vector<1xf32>
    %reduce_max3A_43 = vector.shape_cast %reduce_max3A_42 : vector<1xf32> to vector<1x1x1xf32>
    %reduce_max3A_44 = vector.extract %reduce_max3A_43[0, 0, 0] : f32 from vector<1x1x1xf32>
    %broadcast_in_dim3A_45 = vector.broadcast %reduce_max3A_44 : f32 to vector<4x128xf32>
    %concatenate3A = tpu.concatenate %broadcast_in_dim3A_39, %broadcast_in_dim3A_45 in 0 : vector<4x128xf32>, vector<4x128xf32> -> vector<8x128xf32>
    %eq3A_46 = arith.constant 0 : i32
    %eq3A_47 = arith.cmpi eq, %arg0, %eq3A_46 : i32
    %convert_element_type3A = arith.extui %eq3A_47 : i1 to i32
    %cond3A = arith.constant 0 : i32
    %cond3A_48 = arith.cmpi ne, %convert_element_type3A, %cond3A : i32
    scf.if %cond3A_48 {
      %swap3A_53 = arith.constant 0 : index
      %swap3A_54 = arith.constant 0 : index
      %swap3A_55 = vector.load %arg6[%swap3A_53, %swap3A_54] : memref<8x128xf32, #tpu.memory_space<vmem>>, vector<8x128xf32>
      tpu.vector_store %arg6[%swap3A_53, %swap3A_54], %concatenate3A {strides = array<i32>} : memref<8x128xf32, #tpu.memory_space<vmem>>, vector<8x128xf32>,
    } else {
    }
    %gt3A = arith.constant 0 : i32
    %gt3A_49 = arith.cmpi sgt, %arg0, %gt3A : i32
    %convert_element_type3A_50 = arith.extui %gt3A_49 : i1 to i32
    %cond3A_51 = arith.constant 0 : i32
    %cond3A_52 = arith.cmpi ne, %convert_element_type3A_50, %cond3A_51 : i32
    scf.if %cond3A_52 {
      %get3A_53 = arith.constant 0 : index
      %get3A_54 = arith.constant 0 : index
      %get3A_55 = vector.load %arg6[%get3A_53, %get3A_54] : memref<8x128xf32, #tpu.memory_space<vmem>>, vector<8x128xf32>
      %max3A = arith.maximumf %get3A_55, %concatenate3A : vector<8x128xf32>
      %swap3A_56 = arith.constant 0 : index
      %swap3A_57 = arith.constant 0 : index
      %swap3A_58 = vector.load %arg6[%swap3A_56, %swap3A_57] : memref<8x128xf32, #tpu.memory_space<vmem>>, vector<8x128xf32>
      tpu.vector_store %arg6[%swap3A_56, %swap3A_57], %max3A {strides = array<i32>} : memref<8x128xf32, #tpu.memory_space<vmem>>, vector<8x128xf32>,
    } else {
    }
    return
  }
  func.func @transform_0(%arg0: i32) -> (i32, i32) {
    %c0_i32 = arith.constant 0 : i32
    %c0_i32_0 = arith.constant 0 : i32
    return %arg0, %c0_i32 : i32, i32
  }
  func.func @transform_1(%arg0: i32) -> (i32, i32) {
    %c0_i32 = arith.constant 0 : i32
    %c0_i32_0 = arith.constant 0 : i32
    %c0_i32_1 = arith.constant 0 : i32
    return %c0_i32, %c0_i32_0 : i32, i32
  }
  func.func @transform_2(%arg0: i32) -> (i32, i32) {
    %c0_i32 = arith.constant 0 : i32
    %c0_i32_0 = arith.constant 0 : i32
    %c0_i32_1 = arith.constant 0 : i32
    return %c0_i32, %c0_i32_0 : i32, i32
  }
  func.func @transform_3(%arg0: i32) -> (i32, i32) {
    %c0_i32 = arith.constant 0 : i32
    %c0_i32_0 = arith.constant 0 : i32
    return %arg0, %c0_i32 : i32, i32
  }
  func.func @transform_4(%arg0: i32) -> (i32, i32) {
    %c0_i32 = arith.constant 0 : i32
    %c0_i32_0 = arith.constant 0 : i32
    return %arg0, %c0_i32 : i32, i32
  }
  func.func @transform_5(%arg0: i32) -> (i32, i32) {
    %c0_i32 = arith.constant 0 : i32
    %c0_i32_0 = arith.constant 0 : i32
    %c0_i32_1 = arith.constant 0 : i32
    return %c0_i32, %c0_i32_0 : i32, i32
  }
}

module attributes {stable_mosaic.version = 14 : i64} {
  func.func @_final_body(%arg0: i32, %arg1: memref<2x1000x144xf32, #tpu.memory_space<vmem>>, %arg2: memref<1000x144xf32, #tpu.memory_space<vmem>>, %arg3: memref<1000x2xf32, #tpu.memory_space<vmem>>, %arg4: memref<1x1xf32, #tpu.memory_space<smem>>, %arg5: memref<1000x128xf32, #tpu.memory_space<vmem>>) attributes {dimension_semantics = [#tpu.dimension_semantics<arbitrary>], iteration_bounds = array<i64: 10>, scalar_prefetch = 0 : i64, scratch_operands = 0 : i64, tpu.core_type = #tpu.core_type<tc>, window_params = [{transform_indices = @transform_0, window_bounds = array<i64: 2, 1000, 144>}, {transform_indices = @transform_1, window_bounds = array<i64: 1000, 144>}, {transform_indices = @transform_2, window_bounds = array<i64: 1000, 2>}, {transform_indices = @transform_3, window_bounds = array<i64: 1, 1>}, {transform_indices = @transform_4, window_bounds = array<i64: 1000, 128>}]} {
    %get3A = arith.constant 0 : index
    %get3A_0 = arith.constant 0 : index
    %get3A_1 = vector.load %arg3[%get3A, %get3A_0] : memref<1000x2xf32, #tpu.memory_space<vmem>>, vector<1000x1xf32>
    %get3A_2 = arith.constant 0 : index
    %get3A_3 = arith.constant 1 : index
    %get3A_4 = vector.load %arg3[%get3A_2, %get3A_3] : memref<1000x2xf32, #tpu.memory_space<vmem>>, vector<1000x1xf32>
    %add3A = arith.addf %get3A_1, %get3A_4 : vector<1000x1xf32>
    %gt3A = arith.constant 0.000000e+00 : f32
    %gt3A_5 = vector.broadcast %gt3A : f32 to vector<1000x1xf32>
    %gt3A_6 = arith.cmpf ogt, %add3A, %gt3A_5 : vector<1000x1xf32>
    %mul3A = arith.constant 2.000000e-01 : f32
    %mul3A_7 = vector.broadcast %mul3A : f32 to vector<1000x1xf32>
    %mul3A_8 = arith.mulf %add3A, %mul3A_7 : vector<1000x1xf32>
    %select_n3A = arith.select %gt3A_6, %add3A, %mul3A_8 : vector<1000x1xi1>, vector<1000x1xf32>
    %get3A_9 = arith.constant 0 : index
    %get3A_10 = arith.constant 0 : index
    %get3A_11 = memref.load %arg4[%get3A_9, %get3A_10] : memref<1x1xf32, #tpu.memory_space<smem>>
    %sub3A = vector.broadcast %get3A_11 : f32 to vector<1000x1xf32>
    %sub3A_12 = arith.subf %select_n3A, %sub3A : vector<1000x1xf32>
    %exp3A = math.exp %sub3A_12 : vector<1000x1xf32>
    %get3A_13 = arith.constant 0 : index
    %get3A_14 = arith.constant 0 : index
    %get3A_15 = vector.load %arg2[%get3A_13, %get3A_14] : memref<1000x144xf32, #tpu.memory_space<vmem>>, vector<1000x128xf32>
    %get3A_16 = arith.constant 0 : index
    %get3A_17 = arith.constant 0 : index
    %get3A_18 = arith.constant 0 : index
    %get3A_19 = vector.load %arg1[%get3A_16, %get3A_17, %get3A_18] : memref<2x1000x144xf32, #tpu.memory_space<vmem>>, vector<1x1000x128xf32>
    %get3A_20 = vector.shape_cast %get3A_19 : vector<1x1000x128xf32> to vector<1000x128xf32>
    %get3A_21 = arith.constant 1 : index
    %get3A_22 = arith.constant 0 : index
    %get3A_23 = arith.constant 0 : index
    %get3A_24 = vector.load %arg1[%get3A_21, %get3A_22, %get3A_23] : memref<2x1000x144xf32, #tpu.memory_space<vmem>>, vector<1x1000x128xf32>
    %get3A_25 = vector.shape_cast %get3A_24 : vector<1x1000x128xf32> to vector<1000x128xf32>
    %add3A_26 = arith.addf %get3A_20, %get3A_25 : vector<1000x128xf32>
    %mul3A_27 = vector.broadcast %exp3A : vector<1000x1xf32> to vector<1000x128xf32>
    %mul3A_28 = arith.mulf %mul3A_27, %get3A_15 : vector<1000x128xf32>
    %add3A_29 = arith.addf %add3A_26, %mul3A_28 : vector<1000x128xf32>
    %get3A_30 = arith.constant 0 : index
    %get3A_31 = arith.constant 0 : index
    %get3A_32 = arith.constant 128 : index
    %get3A_33 = vector.load %arg1[%get3A_30, %get3A_31, %get3A_32] : memref<2x1000x144xf32, #tpu.memory_space<vmem>>, vector<1x1000x1xf32>
    %get3A_34 = vector.shape_cast %get3A_33 : vector<1x1000x1xf32> to vector<1000x1xf32>
    %get3A_35 = arith.constant 1 : index
    %get3A_36 = arith.constant 0 : index
    %get3A_37 = arith.constant 128 : index
    %get3A_38 = vector.load %arg1[%get3A_35, %get3A_36, %get3A_37] : memref<2x1000x144xf32, #tpu.memory_space<vmem>>, vector<1x1000x1xf32>
    %get3A_39 = vector.shape_cast %get3A_38 : vector<1x1000x1xf32> to vector<1000x1xf32>
    %add3A_40 = arith.addf %get3A_34, %get3A_39 : vector<1000x1xf32>
    %add3A_41 = arith.addf %add3A_40, %exp3A : vector<1000x1xf32>
    %div3A = vector.broadcast %add3A_41 : vector<1000x1xf32> to vector<1000x128xf32>
    %div3A_42 = arith.divf %add3A_29, %div3A : vector<1000x128xf32>
    %swap3A = arith.constant 0 : index
    %swap3A_43 = arith.constant 0 : index
    %swap3A_44 = vector.load %arg5[%swap3A, %swap3A_43] : memref<1000x128xf32, #tpu.memory_space<vmem>>, vector<1000x128xf32>
    tpu.vector_store %arg5[%swap3A, %swap3A_43], %div3A_42 {strides = array<i32>} : memref<1000x128xf32, #tpu.memory_space<vmem>>, vector<1000x128xf32>,
    return
  }
  func.func @transform_0(%arg0: i32) -> (i32, i32, i32) {
    %c0_i32 = arith.constant 0 : i32
    %c0_i32_0 = arith.constant 0 : i32
    %c0_i32_1 = arith.constant 0 : i32
    return %c0_i32, %arg0, %c0_i32_0 : i32, i32, i32
  }
  func.func @transform_1(%arg0: i32) -> (i32, i32) {
    %c0_i32 = arith.constant 0 : i32
    %c0_i32_0 = arith.constant 0 : i32
    return %arg0, %c0_i32 : i32, i32
  }
  func.func @transform_2(%arg0: i32) -> (i32, i32) {
    %c0_i32 = arith.constant 0 : i32
    %c0_i32_0 = arith.constant 0 : i32
    return %arg0, %c0_i32 : i32, i32
  }
  func.func @transform_3(%arg0: i32) -> (i32, i32) {
    %c0_i32 = arith.constant 0 : i32
    %c0_i32_0 = arith.constant 0 : i32
    %c0_i32_1 = arith.constant 0 : i32
    return %c0_i32, %c0_i32_0 : i32, i32
  }
  func.func @transform_4(%arg0: i32) -> (i32, i32) {
    %c0_i32 = arith.constant 0 : i32
    %c0_i32_0 = arith.constant 0 : i32
    return %arg0, %c0_i32 : i32, i32
  }
}

</mosaic_0001>

<sc_bundles>
// kernel: kernel.6.cloned.1.call-start
scs
__scs_entry_jumppad:
0x0: {  	(pc) =	sbr.rel $0x88, $3  }
0x1: {  	(tag) =	ssettag $0x0;
	lr =	simm.s32 $0x1  }
0x2: {  	[smem:$0x3F9D] =	sst lr;
	_ =	strace $0xD0000000  }
0x3: {  	_ = 	snop  }
0x4: {  	_ = 	snop  }
0x5: {  	_ = 	snop  }
0x6: {  	_ = 	snop  }
0x7: {  	_ = 	snop  }
__scs_overlays_trampoline_lowered:
0x8: {  	[smem:$0x3FAC] =	sst s0  }
0x9: {  	[smem:$0x3FAD] =	sst s1  }
0xa: {  	[smem:$0x3FAE] =	sst s2  }
0xb: {  	[smem:$0x3FAF] =	sst s3  }
0xc: {  	[smem:$0x3FB0] =	sst s4  }
0xd: {  	[smem:$0x3FB1] =	sst s5  }
0xe: {  	[smem:$0x3FB2] =	sst s6  }
0xf: {  	[smem:$0x3FB3] =	sst s7  }
0x10: {  	[smem:$0x3FB4] =	sst s8  }
0x11: {  	[smem:$0x3FB5] =	sst s9;
	s0 =	simm.s32 @!p0 $0x0  }
0x12: {  	s1 =	sld [smem:$0x3F9B];
	s0 =	simm.s32 @p0 $0x1  }
0x13: {  	[smem:$0x3FB6] =	sst s0;
	s0 =	simm.s32 @!p1 $0x0  }
0x14: {  	s2 =	sld [smem:$0x3F9A];
	s0 =	simm.s32 @p1 $0x1  }
0x15: {  	[smem:$0x3FB7] =	sst s0;
	s0 =	simm.s32 @!p2 $0x0  }
0x16: {  	s3 =	sld [smem:$0x3FDB];
	s0 =	simm.s32 @p2 $0x1  }
0x17: {  	s4 =	simm.s32 $0x1BF5;
	[smem:$0x3FB9] =	sst s0  }
0x18: {  	s0 =	sld [smem:$0x3F9C];
	_ =	swait.ge [sflag:s4], $0x0  }
0x19: {  	s7 =	sld [smem:$0x3F9D]  }
0x1a: {  	s8 =	sadd.s32 $0xFFFFE003, lr  }
0x1b: {  	s9 =	sadd.s32 $0xFFFFFEF7, lr;
	s5 =	simm.s32 $0xFFFFFFFF;
	p2 =	slt.u32 s8, $0xFFFFF086  }
0x1c: {  	p1 =	slt.u32 s9, $0xF7A;
	s5 =	simm.s32 @!p2 $0x0  }
0x1d: {  	s5 =	simm.s32 @p1 $0x1;
	p0 =	seq.s32 s7, s2  }
0x1e: {  	s7 =	smul.u32 @!p0 $0xF7A, s2;
	p2 =	seq.s32 @!p0 s5, $0x0  }
0x1f: {  	s9 =	smul.u32 $0xF7A, s1;
	s8 =	simm.s32 @!p0 $0x1BF5;
	p2 =	por !p2, p0  }
0x20: {  	[sflag:s8] =	ssyncset.s32 @!p0 $0xFFFFF086;
	s6 =	sadd.s32 @!p0 s3, s7;
	s7 =	simm.s32 @!p0 $0x108  }
0x21: {  	s3 =	sadd.s32 s3, s9;
	s6 =	sadd.s32 @!p0 $0x88, s6;
	s7 =	simm.s32 @p2 $0x1082  }
0x22: {  	[simem:s7], [sflag:s8] =	dma.local @!p0 [hbm:s6], $0xF7A  }
0x23: {  	s9 =	sor.u32 $0xD0000000, s2;
	s6 =	simm.s32 $0x108;
	_ =	swait.ge @!p0 [sflag:s8], $0x0  }
0x24: {  	s3 =	sadd.s32 $0x88, s3;
	s6 =	simm.s32 @!p1 $0x1082;
	[sflag:s4] =	ssyncset.s32 $0xFFFFF086  }
0x25: {  	[simem:s6], [sflag:s4] =	dma.local [hbm:s3], $0xF7A  }
0x26: {  	[smem:$0x3F9D] =	sst s1;
	(tag) =	ssettag s2;
	_ =	strace s9  }
0x27: {  	s1 =	sld [smem:$0x3FAD]  }
0x28: {  	s2 =	sld [smem:$0x3FAE]  }
0x29: {  	s4 =	sld [smem:$0x3FB0]  }
0x2a: {  	p0 =	seq.s32 s5, $0x0;
	s5 =	sld [smem:$0x3FB1]  }
0x2b: {  	s6 =	sld [smem:$0x3FB2]  }
0x2c: {  	s7 =	sld [smem:$0x3FB3]  }
0x2d: {  	s3 =	simm.s32 $0x108;
	s8 =	sld [smem:$0x3FB4]  }
0x2e: {  	s3 =	simm.s32 @!p0 $0x1082;
	s9 =	sld [smem:$0x3FB5]  }
0x2f: {  	lr =	sadd.s32 s0, s3;
	s0 =	sld [smem:$0x3FAC]  }
0x30: {  	s3 =	sld [smem:$0x3FAF]  }
0x31: {  	[smem:$0x3FB8] =	sst s10  }
0x32: {  	s10 =	sld [smem:$0x3FB6];
	_ =	sdelay $0x3  }
0x33: {  	p0 =	seq.s32 s10, $0x1;
	s10 =	sld [smem:$0x3FB8];
	_ =	sdelay $0x3  }
0x34: {  	[smem:$0x3FB8] =	sst s10  }
0x35: {  	s10 =	sld [smem:$0x3FB7];
	_ =	sdelay $0x3  }
0x36: {  	p1 =	seq.s32 s10, $0x1;
	s10 =	sld [smem:$0x3FB8];
	_ =	sdelay $0x3  }
0x37: {  	[smem:$0x3FB8] =	sst s10  }
0x38: {  	s10 =	sld [smem:$0x3FB9]  }
0x39: {  	_ = 	snop;
	(pc) =	sbr.ind lr, $3  }
0x3a: {  	_ = 	snop  }
0x3b: {  	_ = 	snop  }
0x3c: {  	p2 =	seq.s32 s10, $0x1;
	s10 =	sld [smem:$0x3FB8]  }
0x3d: {  	_ =	shalt  }
0x3e: {  	_ =	shalt  }
0x3f: {  	_ =	shalt  }
0x40: {  	_ =	shalt  }
0x41: {  	_ =	shalt  }
0x42: {  	_ =	shalt  }
0x43: {  	_ =	shalt  }
0x44: {  	_ =	shalt  }
0x45: {  	_ =	shalt  }
0x46: {  	_ =	shalt  }
0x47: {  	_ =	shalt  }
0x48: {  	_ =	shalt  }
0x49: {  	_ =	shalt  }
0x4a: {  	_ =	shalt  }
0x4b: {  	_ =	shalt  }
0x4c: {  	_ =	shalt  }
0x4d: {  	_ =	shalt  }
0x4e: {  	_ =	shalt  }
0x4f: {  	_ =	shalt  }
0x50: {  	_ =	shalt  }
0x51: {  	_ =	shalt  }
0x52: {  	_ =	shalt  }
0x53: {  	_ =	shalt  }
0x54: {  	_ =	shalt  }
0x55: {  	_ =	shalt  }
0x56: {  	_ =	shalt  }
0x57: {  	_ =	shalt  }
0x58: {  	_ =	shalt  }
0x59: {  	_ =	shalt  }
0x5a: {  	_ =	shalt  }
0x5b: {  	_ =	shalt  }
0x5c: {  	_ =	shalt  }
0x5d: {  	_ =	shalt  }
0x5e: {  	_ =	shalt  }
0x5f: {  	_ =	shalt  }
0x60: {  	_ =	shalt  }
0x61: {  	_ =	shalt  }
0x62: {  	_ =	shalt  }
0x63: {  	_ =	shalt  }
0x64: {  	_ =	shalt  }
0x65: {  	_ =	shalt  }
0x66: {  	_ =	shalt  }
0x67: {  	_ =	shalt  }
0x68: {  	_ =	shalt  }
0x69: {  	_ =	shalt  }
0x6a: {  	_ =	shalt  }
0x6b: {  	_ =	shalt  }
0x6c: {  	_ =	shalt  }
0x6d: {  	_ =	shalt  }
0x6e: {  	_ =	shalt  }
0x6f: {  	_ =	shalt  }
0x70: {  	_ =	shalt  }
0x71: {  	_ =	shalt  }
0x72: {  	_ =	shalt  }
0x73: {  	_ =	shalt  }
0x74: {  	_ =	shalt  }
0x75: {  	_ =	shalt  }
0x76: {  	_ =	shalt  }
0x77: {  	_ =	shalt  }
0x78: {  	_ =	shalt  }
0x79: {  	_ =	shalt  }
0x7a: {  	_ =	shalt  }
0x7b: {  	_ =	shalt  }
0x7c: {  	_ =	shalt  }
0x7d: {  	_ =	shalt  }
0x7e: {  	_ =	shalt  }
0x7f: {  	_ =	shalt  }
0x80: {  	_ =	shalt  }
0x81: {  	_ =	shalt  }
0x82: {  	_ =	shalt  }
0x83: {  	_ =	shalt  }
0x84: {  	_ =	shalt  }
0x85: {  	_ =	shalt  }
0x86: {  	_ =	shalt  }
0x87: {  	_ =	shalt  }
.Lfunc_end0:
.L_simem_size_0:
called_computation_lowered:
.L_overlay_start_0:
0x88: {  	s2 =	sld [smem:$0x3FD9]  }
0x89: {  	s3 =	sld [smem:$0x3FFE];
	_ =	sdelay $0x1  }
0x8a: {  	s1 =	srdreg.scid  }
0x8b: {  	s0 =	sand.u32 $0x1, s1  }
0x8c: {  	s17 =	sshll.u32 s0, $0xA;
	s2 =	sadd.s32 s3, s2  }
0x8d: {  	s2 =	sadd.s32 s2, s17  }
0x8e: {  	[smem:$0x3FC4] =	sst s2  }
0x8f: {  	_ = 	snop  }
0x90: {  	s2 =	sld [smem:$0x3FD0];
	(tm) =	ssettm $0x1  }
0x91: {  	s18 =	sld [smem:$0x3FFB];
	_ =	sdelay $0x3  }
0x92: {  	_ =	strace s18  }
0x93: {  	s3 =	sld [smem:$0x3FFC];
	_ =	sdelay $0x3  }
0x94: {  	_ =	strace s3  }
0x95: {  	s3 =	sld [smem:$0x3FFD];
	_ =	sdelay $0x3  }
0x96: {  	_ =	strace s3  }
0x97: {  	_ =	strace $0x8FFFFFFF  }
0x98: {  	s19 =	sld [smem:$0x3FDB];
	_ =	sdelay $0x1  }
0x99: {  	s4 =	simm.s32 $_scs_section_size  }
0x9a: {  	s5 =	simm.s32 $_size__tile_overlayer_lowered;
	s6 =	simm.s32 $_tile_overlayer_lowered  }
0x9b: {  	s22 =	simm.s32 $0x1BFF;
	s21 =	sshll.u32 s6, $0x1;
	s3 =	sadd.s32 s4, s19  }
0x9c: {  	s7 =	simm.s32 $0x0;
	s20 =	sshll.u32 s5, $0x1;
	s5 =	sadd.s32 s21, s3  }
0x9d: {  	[timem:s7], [sflag:s22] =	dma.local [hbm:s5], s20  }
0x9e: {  	_ =	swait.ge [sflag:s22], s20  }
0x9f: {  	s4 =	ssub.s32 $0x0, s20;
	[sflag:s22] =	ssyncset.done $0x0  }
0xa0: {  	[sflag:s22] =	ssyncadd.s32 s4;
	_ =	sdelay $0x1  }
0xa1: {  	s23 =	simm.s32 $0x1B8B  }
0xa2: {  	_ =	swait.ge [sflag:s23], $0x1  }
0xa3: {  	[sflag:s23] =	ssyncset.done $0x0  }
0xa4: {  	s25 =	simm.s32 $0x1B8E;
	s24 =	sld [smem:$0x3FFE];
	[sflag:s23] =	ssyncadd.s32 $0xFFFFFFFF  }
0xa5: {  	s26 =	simm.s32 $execute0_lowered;
	[smem:$0x3FD2] =	sst s25  }
0xa6: {  	s5 =	sshll.u32 s26, $0x1;
	_ =	strace $0x80000046;
	[dreg:$0x1] =	wrdreg $0xFFFFFFFF  }
0xa7: {  	s28 =	simm.s32 $_size_execute0_lowered;
	s3 =	sadd.s32 s3, s5;
	[dreg:$0x0] =	wrdreg $0x0  }
0xa8: {  	s5 =	sshll.u32 s28, $0x1;
	[dreg:$0x2] =	wrdreg s3  }
0xa9: {  	[dreg:$0x3] =	wrdreg s5  }
0xaa: {  	[dreg:$0x4] =	wrdreg $0xC0  }
0xab: {  	_ =	task [dreg:s7], $0x5FFFF  }
0xac: {  	[dreg:$0x1] =	wrdreg $0xFFFFFFFF  }
0xad: {  	[dreg:$0x0] =	wrdreg $0x60  }
0xae: {  	[dreg:$0x2] =	wrdreg s24  }
0xaf: {  	[dreg:$0x3] =	wrdreg s2  }
0xb0: {  	[dreg:$0x4] =	wrdreg $0x9  }
0xb1: {  	_ =	task.clear_ibuf [dreg:s7], $0x5FFFF;
	_ =	strace $0x90000046  }
0xb2: {  	s29 =	simm.s32 $0x9;
	_ =	strace $0x80000048  }
0xb3: {  	_ =	swait.ge [sflag:s29], $0x1  }
0xb4: {  	[sflag:s29] =	ssyncadd.s32 $0xFFFFFFFF  }
0xb5: {  	_ =	strace $0x90000048  }
0xb6: {  	_ =	sfence  }
0xb7: {  	s30 =	sld [smem:$0x0];
	_ =	sdelay $0x2  }
0xb8: {  	s31 =	sshll.u32 s1, $0xD;
	s1 =	sshrl.u32 s1, $0x2  }
0xb9: {  	s3 =	sand.u32 $0x4000, s31;
	s1 =	sadd.s32 s1, s30  }
0xba: {  	s0 =	sor.u32 s3, s0;
	s1 =	sshll.u32 s1, $0x11  }
0xbb: {  	s0 =	sor.u32 s1, s0  }
0xbc: {  	s0 =	sadd.s32 $0x8F2B, s0  }
0xbd: {  	[sflag:s0] =	ssyncadd.remote.s32 $0x1  }
0xbe: {  	_ =	sfence.sel $0xFFFF  }
0xbf: {  	[dreg:$0x0] =	wrdreg $0xFFFFFFFF;
	(pc) =	sbr.abs _section_cstart, $3  }
0xc0: {  	[dreg:$0x1] =	wrdreg $0xFFFFFFFF  }
0xc1: {  	_ =	task.clear_ibuf [dreg:s7], $0x2FFFF;
	_ =	strace $0x9FFFFFFF  }
0xc2: {  	(tm) =	ssettm $0x7FFFFFFF  }
0xc3: {  	_ =	shalt  }
tec
execute0_lowered:
.L_overlay_start_1:
0x0: {  	(tag) =	ssettag $0x1  }
0x1: {  	s1 =	rddreg [dreg:$0x0]  }
0x2: {  	s2 =	rddreg [dreg:$0x1]  }
0x3: {  	s0 =	rddreg [dreg:$0x2]  }
0x4: {  	s3 =	simm.s32 $0x0;
	s5 =	srdreg.scid;
	s12 =	simm.s32 $0x2710  }
0x5: {  	s13 =	simm.s32 $0x4E20;
	s14 =	simm.s32 $0x4E30;
	s15 =	simm.s32 $0x5600  }
0x6: {  	s16 =	simm.s32 $0x5DD0;
	s17 =	simm.s32 $0x0;
	[smem:$0x7FF] =	sst s3  }
0x7: {  	s4 =	sadd.s32 $0xA800, s1;
	s8 =	sand.u32 $0x1, s5;
	s6 =	sadd.s32 $0xA200, s1  }
0x8: {  	s7 =	sadd.s32 $0x9E00, s1;
	s5 =	stileid.u32;
	s9 =	ssub.s32 $0x2, s8  }
0x9: {  	_ =	strace $0x80000047;
	s11 =	sshll.u32 s8, $0x4;
	s10 =	sshrl.u32 s9, $0x1  }
0xa: {  	s8 =	sadd.s32 $0xB000, s1;
	s31 =	sor.u32 s5, s11;
	s10 =	ssub.s32 s9, s10  }
0xb: {  	s11 =	simm.s32 $0x1;
	s9 =	smul.u32 $0x2710, s31;
	s10 =	smax.u32 s10, $0x1  }
.LBB2_1:
0xc: {  	[tilespmem:s3], [sflag:$0x1] =	stream.linear.gather [hbm4b:s4+s3], $0x2710, $0x38;
	[tilespmem:$0x65A0] =	vst v63  }
0xd: {  	_ =	swait.ge [sflag:s11], $0x2710  }
0xe: {  	[sflag:s11] =	ssyncset.done $0x0  }
0xf: {  	[sflag:s11] =	ssyncadd.s32 $0xFFFFD8F0  }
0x10: {  	[tilespmem:s12], [sflag:$0x1] =	stream.linear.gather [hbm4b:s6+s3], $0x2710, $0x38;
	[tilespmem:$0x65A0] =	vst v63  }
0x11: {  	_ =	swait.ge [sflag:s11], $0x2710  }
0x12: {  	[sflag:s11] =	ssyncset.done $0x0  }
0x13: {  	[sflag:s11] =	ssyncadd.s32 $0xFFFFD8F0  }
0x14: {  	[tilespmem:s13], [sflag:$0x1] =	stream.linear.gather [hbm4b:s7+s3], $0x10, $0x38;
	[tilespmem:$0x65A0] =	vst v63  }
0x15: {  	_ =	swait.ge [sflag:s11], $0x10  }
0x16: {  	[sflag:s11] =	ssyncset.done $0x0  }
0x17: {  	[sflag:s11] =	ssyncadd.s32 $0xFFFFFFF0  }
0x18: {  	s18 =	simm.s32 $0x0;
	v0 =	vld [tilespmem:$0x4E20]  }
.LBB2_2:
0x19: {  	s19 =	smul.u32 $0x7D0, s18;
	_ =	sdelay $0x1  }
0x1a: {  	s19 =	sadd.s32 s9, s19  }
0x1b: {  	s19 =	sshrl.u32 s19, $0x3  }
0x1c: {  	s21 =	simm.s32 $0x0;
	s20 =	sadd.s32 s1, s19  }
0x1d: {  	[tilespmem:s14], [sflag:$0x1] =	stream.linear.gather [hbm4b:s20+s21], $0x7D0, $0x38;
	[tilespmem:$0x65A0] =	vst v63  }
0x1e: {  	_ =	swait.ge [sflag:s11], $0x7D0  }
0x1f: {  	[sflag:s11] =	ssyncset.done $0x0  }
0x20: {  	s31 =	sadd.s32 s2, s19;
	[sflag:s11] =	ssyncadd.s32 $0xFFFFF830  }
0x21: {  	[tilespmem:s15], [sflag:$0x1] =	stream.linear.gather [hbm4b:s31+s21], $0x7D0, $0x38;
	[tilespmem:$0x65A0] =	vst v63  }
0x22: {  	_ =	swait.ge [sflag:s11], $0x7D0  }
0x23: {  	[sflag:s11] =	ssyncset.done $0x0  }
0x24: {  	s20 =	simm.s32 $0x0;
	[sflag:s11] =	ssyncadd.s32 $0xFFFFF830  }
0x25: {  	v1 =	vld [tilespmem:s20+$0x5600]  }
0x26: {  	v2 =	vld [tilespmem:s20+$0x4E30];
	_ =	sdelay $0x6  }
0x27: {  	v1 =	vld.idx.msk [tilespmem:v1+s12+$0x0], $0xffff  }
0x28: {  	v2 =	vld.idx.msk [tilespmem:v2+s3+$0x0], $0xffff;
	_ =	sdelay $0x4  }
0x29: {  	v1 =	vadd.f32 v1, v2;
	_ =	sdelay $0x1  }
0x2a: {  	v2 =	vmul.f32 $2.000000030e-01, v1  }
0x2b: {  	vm0 =	vgt.f32 v1, $0.0e+00  }
0x2c: {  	v1 =	vsel vm0, v1, v2  }
0x2d: {  	v1 =	vsub.f32 v1, v0;
	_ =	sdelay $0x1  }
0x2e: {  	v1 =	vmul.f32 $1.442695020e+00, v1;
	_ =	sdelay $0x1  }
0x2f: {  	(erf) = vpow2.f32 v1;
	_ =	sdelay $0x1  }
0x30: {  	s22 =	simm.s32 $0x10  }
0x31: {  	s21 =	simm.s32 $0x80;
	v1 =	vld [tilespmem:s22+$0x5600]  }
.LBB2_3:
0x32: {  	p0 =	sne.s32 s21, $0x1F00;
	v2 =	vld [tilespmem:s22+$0x4E30];
	_ =	sdelay $0x4  }
0x33: {  	v3 =	vpop (erf)  }
0x34: {  	[tilespmem:s20+$0x5DD0] =	vst v3;
	s20 =	smov.u32 s22  }
0x35: {  	v1 =	vld.idx.msk [tilespmem:v1+s12+$0x0], $0xffff  }
0x36: {  	v2 =	vld.idx.msk [tilespmem:v2+s3+$0x0], $0xffff;
	_ =	sdelay $0x5  }
0x37: {  	v1 =	vadd.f32 v1, v2;
	_ =	sdelay $0x1  }
0x38: {  	v2 =	vmul.f32 $2.000000030e-01, v1  }
0x39: {  	vm0 =	vgt.f32 v1, $0.0e+00  }
0x3a: {  	v1 =	vsel vm0, v1, v2  }
0x3b: {  	v1 =	vsub.f32 v1, v0;
	_ =	sdelay $0x1  }
0x3c: {  	v1 =	vmul.f32 $1.442695020e+00, v1  }
.Ltmp0:
0x3d: {  	(pc) =	sbr.rel @p0 .LBB2_3-.Ltmp0, $3  }
0x3e: {  	(erf) = vpow2.f32 v1;
	_ =	sdelay $0x1  }
0x3f: {  	s22 =	sshra.s32 s21, $0x2  }
0x40: {  	s21 =	sadd.s32 $0x40, s21;
	v1 =	vld [tilespmem:s22+$0x5600]  }
0x41: {  	_ = 	snop  }
0x42: {  	v2 =	vld [tilespmem:s22+$0x4E30];
	_ =	sdelay $0x4  }
0x43: {  	v3 =	vpop (erf)  }
0x44: {  	[tilespmem:s20+$0x5DD0] =	vst v3  }
0x45: {  	v1 =	vld.idx.msk [tilespmem:v1+s12+$0x0], $0xffff  }
0x46: {  	v2 =	vld.idx.msk [tilespmem:v2+s3+$0x0], $0xffff;
	_ =	sdelay $0x4  }
0x47: {  	v1 =	vadd.f32 v1, v2;
	_ =	sdelay $0x1  }
0x48: {  	v2 =	vmul.f32 $2.000000030e-01, v1  }
0x49: {  	vm0 =	vgt.f32 v1, $0.0e+00  }
0x4a: {  	v1 =	vsel vm0, v1, v2  }
0x4b: {  	v1 =	vsub.f32 v1, v0;
	_ =	sdelay $0x1  }
0x4c: {  	v1 =	vmul.f32 $1.442695020e+00, v1;
	_ =	sdelay $0x1  }
0x4d: {  	(erf) = vpow2.f32 v1;
	_ =	sdelay $0x7  }
0x4e: {  	s18 =	sadd.s32 $0x1, s18  }
0x4f: {  	p0 =	sne.s32 s18, $0x5;
	v1 =	vpop (erf)  }
.Ltmp1:
0x50: {  	s19 =	sadd.s32 s8, s19;
	[tilespmem:s22+$0x5DD0] =	vst v1;
	(pc) =	sbr.rel @p0 .LBB2_2-.Ltmp1, $4  }
0x51: {  	[hbm4b:s19+s3] =	stream.linear.scatter [tilespmem:s16], [sflag:$0x1], $0x7D0, $0x38;
	[tilespmem:$0x65A0] =	vst v63  }
0x52: {  	_ =	swait.ge [sflag:s11], $0x7D0  }
0x53: {  	[sflag:s11] =	ssyncset.done $0x0  }
0x54: {  	[sflag:s11] =	ssyncadd.s32 $0xFFFFF830  }
0x55: {  	s17 =	sadd.s32 $0x1, s17  }
0x56: {  	p0 =	sne.s32 s17, s10  }
.Ltmp2:
0x57: {  	_ = 	snop;
	(pc) =	sbr.rel @p0 .LBB2_1-.Ltmp2, $1  }
0x58: {  	_ =	sdelay $0x3  }
0x59: {  	_ =	sfence.sel $0x180000  }
0x5a: {  	[bflag:$0x0] =	sbarrier.arrive $0xFFFF  }
0x5b: {  	p0 =	sne.s32 s5, $0x0;
	_ =	strace $0x90000047  }
0x5c: {  	s0 =	sadd.s32 @!p0 $0x100000, s0;
	[bflag:$0x2] =	sbarrier.arrive $0xFFFF  }
0x5d: {  	[sflag:s0] =	ssyncadd.tile.s32 @!p0 $0x1;
	_ =	shalt  }
.Lfunc_end2:
_tile_overlayer_lowered:
.L_overlay_start_2:
0x5e: {  	(tag) =	ssettag $0x2  }
0x5f: {  	s0 =	rddreg [dreg:$0x0];
	s2 =	stileid.u32  }
0x60: {  	s1 =	rddreg [dreg:$0x1];
	p0 =	sne.s32 s2, $0x0  }
0x61: {  	s3 =	rddreg [dreg:$0x2];
	[bflag:$0x3] =	sbarrier.arrive $0xFFFF;
	s2 =	simm.s32 @!p0 $0x1C01  }
0x62: {  	[timem:s3], [sflag:s2] =	dma.local @!p0 [hbm:s0], s1  }
0x63: {  	s0 =	simm.s32 @!p0 $0x1  }
0x64: {  	_ =	swait.ge @!p0 [sflag:s0], s1  }
0x65: {  	s1 =	ssub.s32 @!p0 $0x0, s1;
	[sflag:s0] =	ssyncset.done @!p0 $0x0  }
0x66: {  	[sflag:s0] =	ssyncadd.s32 @!p0 s1  }
0x67: {  	[bflag:$0x3] =	sbarrier.arrive $0xFFFF  }
0x68: {  	_ =	shalt  }

// kernel: kernel.9.cloned.1.call-start
scs
__scs_entry_jumppad:
0x0: {  	(pc) =	sbr.rel $0x88, $3  }
0x1: {  	(tag) =	ssettag $0x0;
	lr =	simm.s32 $0x1  }
0x2: {  	[smem:$0x3F9D] =	sst lr;
	_ =	strace $0xD0000000  }
0x3: {  	_ = 	snop  }
0x4: {  	_ = 	snop  }
0x5: {  	_ = 	snop  }
0x6: {  	_ = 	snop  }
0x7: {  	_ = 	snop  }
__scs_overlays_trampoline_lowered:
0x8: {  	[smem:$0x3FAC] =	sst s0  }
0x9: {  	[smem:$0x3FAD] =	sst s1  }
0xa: {  	[smem:$0x3FAE] =	sst s2  }
0xb: {  	[smem:$0x3FAF] =	sst s3  }
0xc: {  	[smem:$0x3FB0] =	sst s4  }
0xd: {  	[smem:$0x3FB1] =	sst s5  }
0xe: {  	[smem:$0x3FB2] =	sst s6  }
0xf: {  	[smem:$0x3FB3] =	sst s7  }
0x10: {  	[smem:$0x3FB4] =	sst s8  }
0x11: {  	[smem:$0x3FB5] =	sst s9;
	s0 =	simm.s32 @!p0 $0x0  }
0x12: {  	s1 =	sld [smem:$0x3F9B];
	s0 =	simm.s32 @p0 $0x1  }
0x13: {  	[smem:$0x3FB6] =	sst s0;
	s0 =	simm.s32 @!p1 $0x0  }
0x14: {  	s2 =	sld [smem:$0x3F9A];
	s0 =	simm.s32 @p1 $0x1  }
0x15: {  	[smem:$0x3FB7] =	sst s0;
	s0 =	simm.s32 @!p2 $0x0  }
0x16: {  	s3 =	sld [smem:$0x3FDB];
	s0 =	simm.s32 @p2 $0x1  }
0x17: {  	s4 =	simm.s32 $0x1BF5;
	[smem:$0x3FB9] =	sst s0  }
0x18: {  	s0 =	sld [smem:$0x3F9C];
	_ =	swait.ge [sflag:s4], $0x0  }
0x19: {  	s7 =	sld [smem:$0x3F9D]  }
0x1a: {  	s8 =	sadd.s32 $0xFFFFE003, lr  }
0x1b: {  	s9 =	sadd.s32 $0xFFFFFEF7, lr;
	s5 =	simm.s32 $0xFFFFFFFF;
	p2 =	slt.u32 s8, $0xFFFFF086  }
0x1c: {  	p1 =	slt.u32 s9, $0xF7A;
	s5 =	simm.s32 @!p2 $0x0  }
0x1d: {  	s5 =	simm.s32 @p1 $0x1;
	p0 =	seq.s32 s7, s2  }
0x1e: {  	s7 =	smul.u32 @!p0 $0xF7A, s2;
	p2 =	seq.s32 @!p0 s5, $0x0  }
0x1f: {  	s9 =	smul.u32 $0xF7A, s1;
	s8 =	simm.s32 @!p0 $0x1BF5;
	p2 =	por !p2, p0  }
0x20: {  	[sflag:s8] =	ssyncset.s32 @!p0 $0xFFFFF086;
	s6 =	sadd.s32 @!p0 s3, s7;
	s7 =	simm.s32 @!p0 $0x108  }
0x21: {  	s3 =	sadd.s32 s3, s9;
	s6 =	sadd.s32 @!p0 $0x88, s6;
	s7 =	simm.s32 @p2 $0x1082  }
0x22: {  	[simem:s7], [sflag:s8] =	dma.local @!p0 [hbm:s6], $0xF7A  }
0x23: {  	s9 =	sor.u32 $0xD0000000, s2;
	s6 =	simm.s32 $0x108;
	_ =	swait.ge @!p0 [sflag:s8], $0x0  }
0x24: {  	s3 =	sadd.s32 $0x88, s3;
	s6 =	simm.s32 @!p1 $0x1082;
	[sflag:s4] =	ssyncset.s32 $0xFFFFF086  }
0x25: {  	[simem:s6], [sflag:s4] =	dma.local [hbm:s3], $0xF7A  }
0x26: {  	[smem:$0x3F9D] =	sst s1;
	(tag) =	ssettag s2;
	_ =	strace s9  }
0x27: {  	s1 =	sld [smem:$0x3FAD]  }
0x28: {  	s2 =	sld [smem:$0x3FAE]  }
0x29: {  	s4 =	sld [smem:$0x3FB0]  }
0x2a: {  	p0 =	seq.s32 s5, $0x0;
	s5 =	sld [smem:$0x3FB1]  }
0x2b: {  	s6 =	sld [smem:$0x3FB2]  }
0x2c: {  	s7 =	sld [smem:$0x3FB3]  }
0x2d: {  	s3 =	simm.s32 $0x108;
	s8 =	sld [smem:$0x3FB4]  }
0x2e: {  	s3 =	simm.s32 @!p0 $0x1082;
	s9 =	sld [smem:$0x3FB5]  }
0x2f: {  	lr =	sadd.s32 s0, s3;
	s0 =	sld [smem:$0x3FAC]  }
0x30: {  	s3 =	sld [smem:$0x3FAF]  }
0x31: {  	[smem:$0x3FB8] =	sst s10  }
0x32: {  	s10 =	sld [smem:$0x3FB6];
	_ =	sdelay $0x3  }
0x33: {  	p0 =	seq.s32 s10, $0x1;
	s10 =	sld [smem:$0x3FB8];
	_ =	sdelay $0x3  }
0x34: {  	[smem:$0x3FB8] =	sst s10  }
0x35: {  	s10 =	sld [smem:$0x3FB7];
	_ =	sdelay $0x3  }
0x36: {  	p1 =	seq.s32 s10, $0x1;
	s10 =	sld [smem:$0x3FB8];
	_ =	sdelay $0x3  }
0x37: {  	[smem:$0x3FB8] =	sst s10  }
0x38: {  	s10 =	sld [smem:$0x3FB9]  }
0x39: {  	_ = 	snop;
	(pc) =	sbr.ind lr, $3  }
0x3a: {  	_ = 	snop  }
0x3b: {  	_ = 	snop  }
0x3c: {  	p2 =	seq.s32 s10, $0x1;
	s10 =	sld [smem:$0x3FB8]  }
0x3d: {  	_ =	shalt  }
0x3e: {  	_ =	shalt  }
0x3f: {  	_ =	shalt  }
0x40: {  	_ =	shalt  }
0x41: {  	_ =	shalt  }
0x42: {  	_ =	shalt  }
0x43: {  	_ =	shalt  }
0x44: {  	_ =	shalt  }
0x45: {  	_ =	shalt  }
0x46: {  	_ =	shalt  }
0x47: {  	_ =	shalt  }
0x48: {  	_ =	shalt  }
0x49: {  	_ =	shalt  }
0x4a: {  	_ =	shalt  }
0x4b: {  	_ =	shalt  }
0x4c: {  	_ =	shalt  }
0x4d: {  	_ =	shalt  }
0x4e: {  	_ =	shalt  }
0x4f: {  	_ =	shalt  }
0x50: {  	_ =	shalt  }
0x51: {  	_ =	shalt  }
0x52: {  	_ =	shalt  }
0x53: {  	_ =	shalt  }
0x54: {  	_ =	shalt  }
0x55: {  	_ =	shalt  }
0x56: {  	_ =	shalt  }
0x57: {  	_ =	shalt  }
0x58: {  	_ =	shalt  }
0x59: {  	_ =	shalt  }
0x5a: {  	_ =	shalt  }
0x5b: {  	_ =	shalt  }
0x5c: {  	_ =	shalt  }
0x5d: {  	_ =	shalt  }
0x5e: {  	_ =	shalt  }
0x5f: {  	_ =	shalt  }
0x60: {  	_ =	shalt  }
0x61: {  	_ =	shalt  }
0x62: {  	_ =	shalt  }
0x63: {  	_ =	shalt  }
0x64: {  	_ =	shalt  }
0x65: {  	_ =	shalt  }
0x66: {  	_ =	shalt  }
0x67: {  	_ =	shalt  }
0x68: {  	_ =	shalt  }
0x69: {  	_ =	shalt  }
0x6a: {  	_ =	shalt  }
0x6b: {  	_ =	shalt  }
0x6c: {  	_ =	shalt  }
0x6d: {  	_ =	shalt  }
0x6e: {  	_ =	shalt  }
0x6f: {  	_ =	shalt  }
0x70: {  	_ =	shalt  }
0x71: {  	_ =	shalt  }
0x72: {  	_ =	shalt  }
0x73: {  	_ =	shalt  }
0x74: {  	_ =	shalt  }
0x75: {  	_ =	shalt  }
0x76: {  	_ =	shalt  }
0x77: {  	_ =	shalt  }
0x78: {  	_ =	shalt  }
0x79: {  	_ =	shalt  }
0x7a: {  	_ =	shalt  }
0x7b: {  	_ =	shalt  }
0x7c: {  	_ =	shalt  }
0x7d: {  	_ =	shalt  }
0x7e: {  	_ =	shalt  }
0x7f: {  	_ =	shalt  }
0x80: {  	_ =	shalt  }
0x81: {  	_ =	shalt  }
0x82: {  	_ =	shalt  }
0x83: {  	_ =	shalt  }
0x84: {  	_ =	shalt  }
0x85: {  	_ =	shalt  }
0x86: {  	_ =	shalt  }
0x87: {  	_ =	shalt  }
.Lfunc_end0:
.L_simem_size_0:
called_computation.1_lowered:
.L_overlay_start_0:
0x88: {  	s2 =	sld [smem:$0x3FD9]  }
0x89: {  	s3 =	sld [smem:$0x3FFE];
	_ =	sdelay $0x1  }
0x8a: {  	s1 =	srdreg.scid  }
0x8b: {  	s0 =	sand.u32 $0x1, s1  }
0x8c: {  	s17 =	sshll.u32 s0, $0xA;
	s2 =	sadd.s32 s3, s2  }
0x8d: {  	s2 =	sadd.s32 s2, s17  }
0x8e: {  	[smem:$0x3FC4] =	sst s2  }
0x8f: {  	_ = 	snop  }
0x90: {  	s2 =	sld [smem:$0x3FD0];
	(tm) =	ssettm $0x1  }
0x91: {  	s18 =	sld [smem:$0x3FFB];
	_ =	sdelay $0x3  }
0x92: {  	_ =	strace s18  }
0x93: {  	s3 =	sld [smem:$0x3FFC];
	_ =	sdelay $0x3  }
0x94: {  	_ =	strace s3  }
0x95: {  	s3 =	sld [smem:$0x3FFD];
	_ =	sdelay $0x3  }
0x96: {  	_ =	strace s3  }
0x97: {  	_ =	strace $0x8FFFFFFF  }
0x98: {  	s19 =	sld [smem:$0x3FDB];
	_ =	sdelay $0x1  }
0x99: {  	s4 =	simm.s32 $_scs_section_size  }
0x9a: {  	s5 =	simm.s32 $_size__tile_overlayer_lowered;
	s6 =	simm.s32 $_tile_overlayer_lowered  }
0x9b: {  	s22 =	simm.s32 $0x1BFF;
	s21 =	sshll.u32 s6, $0x1;
	s3 =	sadd.s32 s4, s19  }
0x9c: {  	s7 =	simm.s32 $0x0;
	s20 =	sshll.u32 s5, $0x1;
	s5 =	sadd.s32 s21, s3  }
0x9d: {  	[timem:s7], [sflag:s22] =	dma.local [hbm:s5], s20  }
0x9e: {  	_ =	swait.ge [sflag:s22], s20  }
0x9f: {  	s4 =	ssub.s32 $0x0, s20;
	[sflag:s22] =	ssyncset.done $0x0  }
0xa0: {  	[sflag:s22] =	ssyncadd.s32 s4;
	_ =	sdelay $0x1  }
0xa1: {  	s23 =	simm.s32 $0x1B8B  }
0xa2: {  	_ =	swait.ge [sflag:s23], $0x1  }
0xa3: {  	[sflag:s23] =	ssyncset.done $0x0  }
0xa4: {  	s25 =	simm.s32 $0x1B8E;
	s24 =	sld [smem:$0x3FFE];
	[sflag:s23] =	ssyncadd.s32 $0xFFFFFFFF  }
0xa5: {  	s26 =	simm.s32 $execute0_lowered;
	[smem:$0x3FD2] =	sst s25  }
0xa6: {  	s5 =	sshll.u32 s26, $0x1;
	_ =	strace $0x80000049;
	[dreg:$0x1] =	wrdreg $0xFFFFFFFF  }
0xa7: {  	s28 =	simm.s32 $_size_execute0_lowered;
	s3 =	sadd.s32 s3, s5;
	[dreg:$0x0] =	wrdreg $0x0  }
0xa8: {  	s5 =	sshll.u32 s28, $0x1;
	[dreg:$0x2] =	wrdreg s3  }
0xa9: {  	[dreg:$0x3] =	wrdreg s5  }
0xaa: {  	[dreg:$0x4] =	wrdreg $0xC0  }
0xab: {  	_ =	task [dreg:s7], $0x5FFFF  }
0xac: {  	[dreg:$0x1] =	wrdreg $0xFFFFFFFF  }
0xad: {  	[dreg:$0x0] =	wrdreg $0x60  }
0xae: {  	[dreg:$0x2] =	wrdreg s24  }
0xaf: {  	[dreg:$0x3] =	wrdreg s2  }
0xb0: {  	[dreg:$0x4] =	wrdreg $0x90C00  }
0xb1: {  	[dreg:$0x5] =	wrdreg $0x9  }
0xb2: {  	_ =	task.clear_ibuf [dreg:s7], $0x6FFFF;
	_ =	strace $0x90000049  }
0xb3: {  	s29 =	simm.s32 $0x9;
	_ =	strace $0x8000004B  }
0xb4: {  	_ =	swait.ge [sflag:s29], $0x1  }
0xb5: {  	[sflag:s29] =	ssyncadd.s32 $0xFFFFFFFF  }
0xb6: {  	_ =	strace $0x9000004B  }
0xb7: {  	_ =	sfence  }
0xb8: {  	s30 =	sld [smem:$0x0];
	_ =	sdelay $0x2  }
0xb9: {  	s31 =	sshll.u32 s1, $0xD;
	s1 =	sshrl.u32 s1, $0x2  }
0xba: {  	s3 =	sand.u32 $0x4000, s31;
	s1 =	sadd.s32 s1, s30  }
0xbb: {  	s0 =	sor.u32 s3, s0;
	s1 =	sshll.u32 s1, $0x11  }
0xbc: {  	s0 =	sor.u32 s1, s0  }
0xbd: {  	s0 =	sadd.s32 $0x8F2B, s0  }
0xbe: {  	[sflag:s0] =	ssyncadd.remote.s32 $0x1  }
0xbf: {  	_ =	sfence.sel $0xFFFF  }
0xc0: {  	[dreg:$0x0] =	wrdreg $0xFFFFFFFF;
	(pc) =	sbr.abs _section_cstart, $3  }
0xc1: {  	[dreg:$0x1] =	wrdreg $0xFFFFFFFF  }
0xc2: {  	_ =	task.clear_ibuf [dreg:s7], $0x2FFFF;
	_ =	strace $0x9FFFFFFF  }
0xc3: {  	(tm) =	ssettm $0x7FFFFFFF  }
tec
execute0_lowered:
.L_overlay_start_1:
0x0: {  	(tag) =	ssettag $0x1  }
0x1: {  	s1 =	rddreg [dreg:$0x0]  }
0x2: {  	s0 =	rddreg [dreg:$0x1]  }
0x3: {  	s2 =	rddreg [dreg:$0x2];
	s4 =	simm.s32 $0x0  }
0x4: {  	s3 =	srdreg.scid;
	s7 =	stileid.u32;
	s19 =	simm.s32 $0x36C0  }
0x5: {  	s20 =	simm.s32 $0x3;
	s21 =	simm.s32 $0x50;
	s22 =	simm.s32 $0x2710  }
0x6: {  	s23 =	simm.s32 $0x1;
	s24 =	simm.s32 $0x2;
	s25 =	simm.s32 $0x63C0  }
0x7: {  	[smem:$0x7FF] =	sst s4;
	s3 =	sand.u32 $0x1, s3;
	s8 =	smul.u32 $0xB400, s7  }
0x8: {  	s4 =	sadd.s32 $0x14E00, s1;
	s5 =	sadd.s32 $0xB000, s1;
	p1 =	sgt.u32 s7, $0xC  }
0x9: {  	s6 =	smul.u32 $0x2BF20, s3;
	s9 =	ssub.s32 $0x2, s3;
	s3 =	sshll.u32 s3, $0x4  }
0xa: {  	p0 =	sne.s32 s7, $0x0;
	_ =	strace $0x8000004A;
	s3 =	sor.u32 s7, s3  }
0xb: {  	s26 =	sshrl.u32 s9, $0x1;
	s8 =	sshrl.u32 s8, $0x2;
	s31 =	smul.u32 $0x4E2, s3  }
0xc: {  	s17 =	sadd.s32 s6, s1;
	s9 =	ssub.s32 s9, s26;
	s13 =	smul.u32 $0x7D, s3  }
0xd: {  	s6 =	sadd.s32 s8, s2;
	s16 =	smul.u32 $0x2710, s3;
	s26 =	simm.s32 $0x0  }
.Ltmp0:
0xe: {  	s8 =	sadd.s32 $0x2D000, s6;
	s28 =	sadd.s32 $0x5A000, s6;
	(pc) =	sbr.rel .LBB2_1-.Ltmp0, $4  }
0xf: {  	s29 =	sadd.s32 $0x87000, s6;
	s30 =	sadd.s32 $0xB4000, s6;
	[dreg:$0x4] =	wrdreg s8  }
0x10: {  	s11 =	sadd.s32 $0xE1000, s6;
	s12 =	sadd.s32 $0x10E000, s6;
	[dreg:$0x5] =	wrdreg s28  }
0x11: {  	s14 =	sadd.s32 $0x13B000, s6;
	s17 =	sadd.s32 $0x40E00, s17;
	[dreg:$0x6] =	wrdreg s29  }
0x12: {  	v0 =	vimm.f32 $0.0e+00;
	s18 =	smax.u32 s9, $0x1;
	[dreg:$0x7] =	wrdreg s30;
	s15 =	sadd.s32 s0, s31  }
.LBB2_14:
0x13: {  	[bflag:$0x0] =	sbarrier.arrive $0xFFFF  }
0x14: {  	s0 =	sshrl.u32 @!p0 s2, $0x3;
	s3 =	simm.s32 @!p0 $0x1C03;
	s26 =	sadd.s32 $0x1, s26  }
0x15: {  	[hbm:s17], [sflag:s3] =	dma.local @!p0 [spmem:s0], $0x2BF20  }
0x16: {  	p2 =	sne.s32 s26, s18  }
.Ltmp1:
0x17: {  	_ = 	snop;
	(pc) =	sbr.rel @!p2 .LBB2_15-.Ltmp1, $4  }
0x18: {  	s0 =	simm.s32 @!p0 $0x3  }
0x19: {  	_ =	swait.ge @!p0 [sflag:s0], $0x2BF20  }
0x1a: {  	[sflag:s0] =	ssyncset.done @!p0 $0x0  }
0x1b: {  	[sflag:s0] =	ssyncadd.s32 @!p0 $0xFFFD40E0  }
.LBB2_1:
0x1c: {  	s0 =	simm.s32 $0x0  }
0x1d: {  	s0 =	smul.u32 $0xE38F, s0;
	_ =	sdelay $0x1  }
0x1e: {  	s3 =	sshrl.u32 s0, $0x13  }
0x1f: {  	s7 =	simm.s32 $0x0;
	s0 =	simm.s32 $0x1;
	s8 =	smul.u32 $0x9, s3  }
.LBB2_2:
0x20: {  	s9 =	smul.u32 $0xE38F, s0  }
0x21: {  	s28 =	smov.u32 s0;
	s3 =	smul.u32 $0x240, s3;
	p2 =	sne.s32 s0, $0x2CF  }
.Ltmp2:
0x22: {  	s7 =	ssub.s32 s7, s8;
	(pc) =	sbr.rel @p2 .LBB2_2-.Ltmp2, $4  }
0x23: {  	s0 =	sadd.s32 $0x1, s0;
	s7 =	sand.u32 $0xFFFF, s7  }
0x24: {  	s8 =	sshrl.u32 s3, $0x2;
	s29 =	sshll.u32 s7, $0x4;
	s7 =	smov.u32 s28  }
0x25: {  	s3 =	sshrl.u32 s9, $0x13;
	s9 =	sadd.s32 s29, s8  }
0x26: {  	s8 =	smul.u32 $0x9, s3;
	[tilespmem:s9+$0x36C0] =	vst v0  }
0x27: {  	_ = 	snop  }
0x28: {  	s3 =	smul.u32 $0x240, s3;
	s0 =	ssub.s32 s7, s8  }
0x29: {  	s0 =	sand.u32 $0xFFFF, s0  }
0x2a: {  	s3 =	sshrl.u32 s3, $0x2;
	s0 =	sshll.u32 s0, $0x4  }
0x2b: {  	s0 =	sadd.s32 s0, s3  }
0x2c: {  	[tilespmem:s0+$0x36C0] =	vst v0  }
0x2d: {  	[spmem:s6] =	stream.linear.scatter [tilespmem:s19], [sflag:$0x3], $0x2D00, $0x38;
	[tilespmem:$0x1F050] =	vst v63  }
0x2e: {  	_ =	swait.ge [sflag:s20], $0x2D00  }
0x2f: {  	[sflag:s20] =	ssyncset.done $0x0  }
0x30: {  	s9 =	rddreg [dreg:$0x4];
	[sflag:s20] =	ssyncadd.s32 $0xFFFFD300  }
0x31: {  	[spmem:s9] =	stream.linear.scatter [tilespmem:s19], [sflag:$0x3], $0x2D00, $0x38;
	[tilespmem:$0x1F050] =	vst v63  }
0x32: {  	_ =	swait.ge [sflag:s20], $0x2D00  }
0x33: {  	[sflag:s20] =	ssyncset.done $0x0  }
0x34: {  	s10 =	rddreg [dreg:$0x5];
	[sflag:s20] =	ssyncadd.s32 $0xFFFFD300  }
0x35: {  	[spmem:s10] =	stream.linear.scatter [tilespmem:s19], [sflag:$0x3], $0x2D00, $0x38;
	[tilespmem:$0x1F050] =	vst v63  }
0x36: {  	_ =	swait.ge [sflag:s20], $0x2D00  }
0x37: {  	[sflag:s20] =	ssyncset.done $0x0  }
0x38: {  	s30 =	rddreg [dreg:$0x6];
	[sflag:s20] =	ssyncadd.s32 $0xFFFFD300  }
0x39: {  	[spmem:s30] =	stream.linear.scatter [tilespmem:s19], [sflag:$0x3], $0x2D00, $0x38;
	[tilespmem:$0x1F050] =	vst v63  }
0x3a: {  	_ =	swait.ge [sflag:s20], $0x2D00  }
0x3b: {  	[sflag:s20] =	ssyncset.done $0x0  }
0x3c: {  	s31 =	rddreg [dreg:$0x7];
	[sflag:s20] =	ssyncadd.s32 $0xFFFFD300  }
0x3d: {  	[spmem:s31] =	stream.linear.scatter [tilespmem:s19], [sflag:$0x3], $0x2D00, $0x38;
	[tilespmem:$0x1F050] =	vst v63  }
0x3e: {  	_ =	swait.ge [sflag:s20], $0x2D00  }
0x3f: {  	[sflag:s20] =	ssyncset.done $0x0  }
0x40: {  	[sflag:s20] =	ssyncadd.s32 $0xFFFFD300  }
0x41: {  	[spmem:s11] =	stream.linear.scatter [tilespmem:s19], [sflag:$0x3], $0x2D00, $0x38;
	[tilespmem:$0x1F050] =	vst v63  }
0x42: {  	_ =	swait.ge [sflag:s20], $0x2D00  }
0x43: {  	[sflag:s20] =	ssyncset.done $0x0  }
0x44: {  	[sflag:s20] =	ssyncadd.s32 $0xFFFFD300  }
0x45: {  	[spmem:s12] =	stream.linear.scatter [tilespmem:s19], [sflag:$0x3], $0x2D00, $0x38;
	[tilespmem:$0x1F050] =	vst v63  }
0x46: {  	_ =	swait.ge [sflag:s20], $0x2D00  }
0x47: {  	[sflag:s20] =	ssyncset.done $0x0  }
0x48: {  	s0 =	simm.s32 @!p1 $0x36C0;
	[sflag:s20] =	ssyncadd.s32 $0xFFFFD300  }
0x49: {  	[spmem:s14] =	stream.linear.scatter @!p1 [tilespmem:s0], [sflag:$0x3], $0x2D00, $0x38;
	[tilespmem:$0x1F050] =	vst v63  }
0x4a: {  	s0 =	simm.s32 @!p1 $0x3  }
0x4b: {  	_ =	swait.ge @!p1 [sflag:s0], $0x2D00  }
0x4c: {  	[sflag:s0] =	ssyncset.done @!p1 $0x0  }
0x4d: {  	s28 =	simm.s32 $0x0;
	[sflag:s0] =	ssyncadd.s32 @!p1 $0xFFFFD300  }
0x4e: {  	[tilespmem:s28], [sflag:$0x3] =	stream.linear.gather [hbm4b:s15+s28], $0x2710, $0x38;
	[tilespmem:$0x1F050] =	vst v63  }
.Ltmp3:
0x4f: {  	_ =	swait.ge [sflag:s20], $0x2710;
	(pc) =	sbr.rel .LBB2_4-.Ltmp3, $4  }
0x50: {  	[sflag:s20] =	ssyncset.done $0x0  }
0x51: {  	[sflag:s20] =	ssyncadd.s32 $0xFFFFD8F0  }
0x52: {  	s29 =	simm.s32 $0x0;
	[bflag:$0x0] =	sbarrier.arrive $0xFFFF  }
0x53: {  	[tilespmem:s19], [sflag:$0x1] =	stream.indirect.gather [hbm4b:s4+s21], $0x90, s28, s21, $0xb8;
	[tilespmem:$0x1F050] =	vst v63  }
.LBB2_13:
0x54: {  	s29 =	sadd.s32 $0x1, s29  }
0x55: {  	p2 =	sne.s32 s29, $0x5  }
.Ltmp4:
0x56: {  	_ = 	snop;
	(pc) =	sbr.rel @!p2 .LBB2_14-.Ltmp4, $1  }
0x57: {  	_ =	sdelay $0x3  }
.LBB2_4:
0x58: {  	s30 =	smul.u32 $0x19, s29;
	_ =	sdelay $0x1  }
0x59: {  	s0 =	sadd.s32 s13, s30  }
0x5a: {  	s0 =	smul.u32 $0xA, s0;
	_ =	sdelay $0x1  }
0x5b: {  	s3 =	smul.u32 $0x7D0, s29;
	s0 =	sadd.s32 s1, s0  }
0x5c: {  	[tilespmem:s22], [sflag:$0x3] =	stream.linear.gather [hbm4b:s0+s28], $0x7D0, $0x38;
	[tilespmem:$0x1F050] =	vst v63  }
0x5d: {  	s10 =	sadd.s32 s16, s3;
	_ =	swait.ge [sflag:s20], $0x7D0  }
0x5e: {  	s31 =	simm.s32 $0x2EE0;
	s0 =	sshrl.u32 s10, $0x3;
	[sflag:s20] =	ssyncset.done $0x0  }
.Ltmp5:
0x5f: {  	s0 =	sadd.s32 s5, s0;
	[sflag:s20] =	ssyncadd.s32 $0xFFFFF830;
	(pc) =	sbr.rel .LBB2_5-.Ltmp5, $4  }
0x60: {  	[tilespmem:s31], [sflag:$0x3] =	stream.linear.gather [hbm4b:s0+s28], $0x7D0, $0x38;
	[tilespmem:$0x1F050] =	vst v63  }
0x61: {  	_ =	swait.ge [sflag:s20], $0x7D0  }
0x62: {  	[sflag:s20] =	ssyncset.done $0x0  }
0x63: {  	s0 =	simm.s32 $0x0;
	[sflag:s20] =	ssyncadd.s32 $0xFFFFF830  }
.LBB2_11:
0x64: {  	[tilespmem:s3+$0xFFFFFFC0] =	vst v10  }
0x65: {  	[tilespmem:s3+$0x40] =	vst v8  }
0x66: {  	v5 =	vmul.f32 v5, v2;
	[tilespmem:s3+$0x30] =	vst v9  }
0x67: {  	v6 =	vmul.f32 v6, v2;
	[tilespmem:s3+$0xFFFFFFE0] =	vst v7  }
0x68: {  	v1 =	vmul.f32 v1, v2;
	[tilespmem:s3+$0x10] =	vst v5  }
0x69: {  	v3 =	vmul.f32 v3, v2;
	[tilespmem:s3+$0x0] =	vst v6  }
0x6a: {  	v2 =	vmul.f32 v4, v2;
	[tilespmem:s3+$0xFFFFFFF0] =	vst v1  }
0x6b: {  	s7 =	sshra.s32 s7, $0x2;
	[tilespmem:s3+$0x20] =	vst v3  }
0x6c: {  	s10 =	sadd.s32 $0x2710, s7;
	[tilespmem:s3+$0xFFFFFFD0] =	vst v2;
	s3 =	simm.s32 $0x3  }
0x6d: {  	[spmem:s2] =	stream.indirect.scatter.add.f32 [tilespmem:s25], [sflag:$0x3], $0x90, s10, s21, $0xb8;
	[tilespmem:$0x1F050] =	vst v63  }
.LBB2_12:
0x6e: {  	s0 =	sadd.s32 $0x1, s0  }
0x6f: {  	p2 =	sne.s32 s0, $0x19  }
.Ltmp6:
0x70: {  	_ = 	snop;
	(pc) =	sbr.rel @!p2 .LBB2_13-.Ltmp6, $4  }
0x71: {  	_ = 	snop  }
0x72: {  	_ =	swait.ge [sflag:s3], $0x2D00  }
0x73: {  	[sflag:s3] =	ssyncset.done $0x0  }
0x74: {  	s31 =	sadd.s32 $0x50, s31;
	[sflag:s3] =	ssyncadd.s32 $0xFFFFD300  }
.LBB2_5:
0x75: {  	s3 =	sadd.s32 s30, s0  }
0x76: {  	s7 =	sand.u32 $0x1, s3  }
0x77: {  	p2 =	seq.s32 s7, $0x1  }
.Ltmp7:
0x78: {  	_ = 	snop;
	(pc) =	sbr.rel @p2 .LBB2_9-.Ltmp7, $1  }
0x79: {  	_ =	sdelay $0x3  }
0x7a: {  	s3 =	sor.u32 $0x1, s3  }
0x7b: {  	p2 =	sgt.u32 s3, $0x7C  }
0x7c: {  	s3 =	smul.u32 @!p2 $0x140, s3;
	_ =	sdelay $0x1  }
0x7d: {  	s7 =	simm.s32 @!p2 $0x50;
	s8 =	simm.s32 @!p2 $0x63C0;
	s3 =	sshra.s32 @!p2 s3, $0x2  }
0x7e: {  	[tilespmem:s8], [sflag:$0x2] =	stream.indirect.gather @!p2 [hbm4b:s4+s7], $0x90, s3, s7, $0xb8;
	[tilespmem:$0x1F050] =	vst v63  }
0x7f: {  	_ =	swait.ge [sflag:s23], $0x2D00  }
0x80: {  	[sflag:s23] =	ssyncset.done $0x0  }
0x81: {  	s3 =	simm.s32 $0x3700;
	[sflag:s23] =	ssyncadd.s32 $0xFFFFD300  }
0x82: {  	v6 =	vld [tilespmem:s3+$0xFFFFFFC0]  }
0x83: {  	v9 =	vld [tilespmem:s3+$0x30]  }
0x84: {  	s10 =	sadd.s32 $0x0, s31;
	v7 =	vld [tilespmem:s3+$0x40]  }
0x85: {  	v2 =	vld.msk [tilespmem:s10+$0x0 ss:$0x0], $0xffff  }
0x86: {  	v11 =	vld [tilespmem:s3+$0xFFFFFFE0]  }
0x87: {  	v1 =	vld [tilespmem:s3+$0xFFFFFFF0]  }
0x88: {  	v3 =	vld [tilespmem:s3+$0x20]  }
0x89: {  	v4 =	vld [tilespmem:s3+$0xFFFFFFD0]  }
0x8a: {  	v5 =	vld [tilespmem:s3+$0x10]  }
0x8b: {  	v10 =	vmul.f32 v2, v6;
	v8 =	vmul.f32 v7, v2;
	v6 =	vld [tilespmem:s3+$0x0]  }
0x8c: {  	s9 =	simm.s32 $0x3700;
	s7 =	smul.u32 $0x140, s0;
	s8 =	simm.s32 $0x4;
	v7 =	vmul.f32 v11, v2;
	v9 =	vmul.f32 v9, v2  }
.LBB2_7:
0x8d: {  	p2 =	sne.s32 s8, $0x13C  }
0x8e: {  	[tilespmem:s3+$0xFFFFFFC0] =	vst v10;
	v4 =	vmul.f32 v4, v2;
	v3 =	vmul.f32 v3, v2;
	s9 =	sadd.s32 $0x90, s9;
	s10 =	smov.u32 s8;
	s8 =	sadd.s32 $0x4, s8  }
0x8f: {  	v10 =	vmul.f32 v1, v2;
	v1 =	vmul.f32 v5, v2;
	[tilespmem:s3+$0x40] =	vst v8  }
0x90: {  	v2 =	vmul.f32 v6, v2;
	[tilespmem:s3+$0x30] =	vst v9  }
0x91: {  	[tilespmem:s3+$0xFFFFFFE0] =	vst v7  }
0x92: {  	[tilespmem:s3+$0x10] =	vst v1  }
0x93: {  	v1 =	vld [tilespmem:s9+$0xFFFFFFF0];
	[tilespmem:s3+$0x0] =	vst v2  }
0x94: {  	v7 =	vld [tilespmem:s9+$0xFFFFFFC0];
	[tilespmem:s3+$0xFFFFFFF0] =	vst v10  }
0x95: {  	s10 =	sshra.s32 s10, $0x2;
	v9 =	vld [tilespmem:s9+$0x30];
	[tilespmem:s3+$0x20] =	vst v3  }
0x96: {  	s10 =	sadd.s32 s10, s31;
	v8 =	vld [tilespmem:s9+$0x40];
	[tilespmem:s3+$0xFFFFFFD0] =	vst v4;
	s3 =	smov.u32 s9  }
0x97: {  	v2 =	vld.msk [tilespmem:s10+$0x0 ss:$0x0], $0xffff  }
0x98: {  	v11 =	vld [tilespmem:s9+$0xFFFFFFE0]  }
0x99: {  	v3 =	vld [tilespmem:s9+$0x20]  }
.Ltmp8:
0x9a: {  	v4 =	vld [tilespmem:s9+$0xFFFFFFD0];
	(pc) =	sbr.rel @p2 .LBB2_7-.Ltmp8, $4  }
0x9b: {  	v5 =	vld [tilespmem:s9+$0x10]  }
0x9c: {  	v6 =	vld [tilespmem:s9+$0x0]  }
0x9d: {  	v10 =	vmul.f32 v2, v7;
	v8 =	vmul.f32 v8, v2  }
0x9e: {  	v9 =	vmul.f32 v9, v2;
	v7 =	vmul.f32 v11, v2  }
0x9f: {  	[tilespmem:s3+$0xFFFFFFC0] =	vst v10  }
0xa0: {  	[tilespmem:s3+$0x40] =	vst v8  }
0xa1: {  	v1 =	vmul.f32 v1, v2;
	[tilespmem:s3+$0x30] =	vst v9  }
0xa2: {  	v3 =	vmul.f32 v3, v2;
	[tilespmem:s3+$0xFFFFFFE0] =	vst v7  }
0xa3: {  	v5 =	vmul.f32 v5, v2;
	[tilespmem:s3+$0xFFFFFFF0] =	vst v1  }
.Ltmp9:
0xa4: {  	v6 =	vmul.f32 v6, v2;
	[tilespmem:s3+$0x20] =	vst v3;
	(pc) =	sbr.rel .LBB2_12-.Ltmp9, $4  }
0xa5: {  	v2 =	vmul.f32 v4, v2;
	[tilespmem:s3+$0x10] =	vst v5  }
0xa6: {  	s7 =	sshra.s32 s7, $0x2;
	[tilespmem:s3+$0x0] =	vst v6  }
0xa7: {  	s10 =	sadd.s32 $0x2710, s7;
	[tilespmem:s3+$0xFFFFFFD0] =	vst v2;
	s3 =	simm.s32 $0x4  }
0xa8: {  	[spmem:s2] =	stream.indirect.scatter.add.f32 [tilespmem:s19], [sflag:$0x4], $0x90, s10, s21, $0xb8;
	[tilespmem:$0x1F050] =	vst v63  }
.LBB2_9:
0xa9: {  	p2 =	sgt.u32 s3, $0x7B  }
0xaa: {  	s3 =	smul.u32 @!p2 $0x140, s3;
	_ =	sdelay $0x1  }
0xab: {  	s3 =	sshra.s32 @!p2 s3, $0x2  }
0xac: {  	s7 =	simm.s32 @!p2 $0x50;
	s8 =	simm.s32 @!p2 $0x36C0;
	s3 =	sadd.s32 @!p2 $0x50, s3  }
0xad: {  	[tilespmem:s8], [sflag:$0x1] =	stream.indirect.gather @!p2 [hbm4b:s4+s7], $0x90, s3, s7, $0xb8;
	[tilespmem:$0x1F050] =	vst v63  }
0xae: {  	_ =	swait.ge [sflag:s24], $0x2D00  }
0xaf: {  	[sflag:s24] =	ssyncset.done $0x0  }
0xb0: {  	s3 =	simm.s32 $0x6400;
	[sflag:s24] =	ssyncadd.s32 $0xFFFFD300  }
0xb1: {  	v6 =	vld [tilespmem:s3+$0xFFFFFFC0]  }
0xb2: {  	v9 =	vld [tilespmem:s3+$0x30]  }
0xb3: {  	s10 =	sadd.s32 $0x0, s31;
	v7 =	vld [tilespmem:s3+$0x40]  }
0xb4: {  	v2 =	vld.msk [tilespmem:s10+$0x0 ss:$0x0], $0xffff  }
0xb5: {  	v11 =	vld [tilespmem:s3+$0xFFFFFFE0]  }
0xb6: {  	v1 =	vld [tilespmem:s3+$0xFFFFFFF0]  }
0xb7: {  	v3 =	vld [tilespmem:s3+$0x20]  }
0xb8: {  	v4 =	vld [tilespmem:s3+$0xFFFFFFD0]  }
0xb9: {  	v5 =	vld [tilespmem:s3+$0x10]  }
0xba: {  	v10 =	vmul.f32 v2, v6;
	v8 =	vmul.f32 v7, v2;
	v6 =	vld [tilespmem:s3+$0x0]  }
0xbb: {  	s9 =	simm.s32 $0x6400;
	s7 =	smul.u32 $0x140, s0;
	s8 =	simm.s32 $0x4;
	v7 =	vmul.f32 v11, v2;
	v9 =	vmul.f32 v9, v2  }
.LBB2_10:
0xbc: {  	p2 =	sne.s32 s8, $0x13C  }
0xbd: {  	[tilespmem:s3+$0xFFFFFFC0] =	vst v10;
	v4 =	vmul.f32 v4, v2;
	v3 =	vmul.f32 v3, v2;
	s9 =	sadd.s32 $0x90, s9;
	s10 =	smov.u32 s8;
	s8 =	sadd.s32 $0x4, s8  }
0xbe: {  	v10 =	vmul.f32 v1, v2;
	v1 =	vmul.f32 v5, v2;
	[tilespmem:s3+$0x40] =	vst v8  }
0xbf: {  	v2 =	vmul.f32 v6, v2;
	[tilespmem:s3+$0x30] =	vst v9  }
0xc0: {  	[tilespmem:s3+$0xFFFFFFE0] =	vst v7  }
0xc1: {  	[tilespmem:s3+$0x10] =	vst v1  }
0xc2: {  	v1 =	vld [tilespmem:s9+$0xFFFFFFF0];
	[tilespmem:s3+$0x0] =	vst v2  }
0xc3: {  	v7 =	vld [tilespmem:s9+$0xFFFFFFC0];
	[tilespmem:s3+$0xFFFFFFF0] =	vst v10  }
0xc4: {  	s10 =	sshra.s32 s10, $0x2;
	v9 =	vld [tilespmem:s9+$0x30];
	[tilespmem:s3+$0x20] =	vst v3  }
0xc5: {  	s10 =	sadd.s32 s10, s31;
	v8 =	vld [tilespmem:s9+$0x40];
	[tilespmem:s3+$0xFFFFFFD0] =	vst v4;
	s3 =	smov.u32 s9  }
0xc6: {  	v2 =	vld.msk [tilespmem:s10+$0x0 ss:$0x0], $0xffff  }
0xc7: {  	v11 =	vld [tilespmem:s9+$0xFFFFFFE0]  }
0xc8: {  	v3 =	vld [tilespmem:s9+$0x20]  }
.Ltmp10:
0xc9: {  	v4 =	vld [tilespmem:s9+$0xFFFFFFD0];
	(pc) =	sbr.rel @p2 .LBB2_10-.Ltmp10, $4  }
0xca: {  	v5 =	vld [tilespmem:s9+$0x10]  }
0xcb: {  	v6 =	vld [tilespmem:s9+$0x0]  }
0xcc: {  	v10 =	vmul.f32 v2, v7;
	v8 =	vmul.f32 v8, v2  }
0xcd: {  	v9 =	vmul.f32 v9, v2;
	v7 =	vmul.f32 v11, v2  }
.Ltmp11:
0xce: {  	_ = 	snop;
	(pc) =	sbr.rel .LBB2_11-.Ltmp11, $1  }
0xcf: {  	_ =	sdelay $0x3  }
.LBB2_15:
0xd0: {  	_ =	sfence.sel $0x180000  }
0xd1: {  	[bflag:$0x0] =	sbarrier.arrive $0xFFFF  }
0xd2: {  	_ =	strace $0x9000004A  }
0xd3: {  	[bflag:$0x2] =	sbarrier.arrive $0xFFFF  }
0xd4: {  	s0 =	rddreg [dreg:$0x3]  }
0xd5: {  	s0 =	sadd.s32 @!p0 $0x100000, s0  }
0xd6: {  	[sflag:s0] =	ssyncadd.tile.s32 @!p0 $0x1;
	_ =	shalt  }
.Lfunc_end2:
_tile_overlayer_lowered:
.L_overlay_start_2:
0xd7: {  	(tag) =	ssettag $0x2  }
0xd8: {  	s0 =	rddreg [dreg:$0x0];
	s2 =	stileid.u32  }
0xd9: {  	s1 =	rddreg [dreg:$0x1];
	p0 =	sne.s32 s2, $0x0  }
0xda: {  	s3 =	rddreg [dreg:$0x2];
	[bflag:$0x3] =	sbarrier.arrive $0xFFFF;
	s2 =	simm.s32 @!p0 $0x1C03  }
0xdb: {  	[timem:s3], [sflag:s2] =	dma.local @!p0 [hbm:s0], s1  }
0xdc: {  	s0 =	simm.s32 @!p0 $0x3  }
0xdd: {  	_ =	swait.ge @!p0 [sflag:s0], s1  }
0xde: {  	s1 =	ssub.s32 @!p0 $0x0, s1;
	[sflag:s0] =	ssyncset.done @!p0 $0x0  }
0xdf: {  	[sflag:s0] =	ssyncadd.s32 @!p0 s1  }
0xe0: {  	[bflag:$0x3] =	sbarrier.arrive $0xFFFF  }
0xe1: {  	_ =	shalt  }

</sc_bundles>
